<compile_context>
chip_gen: v7x
topology: tpu7x:2x2x1
jax: 0.10.2.dev20260603
libtpu: 0.0.44.dev20260713+nightly
codegen_flags: <defaults>
</compile_context>

<pallas_src>
import functools

import jax
import jax.numpy as jnp
from jax import lax
from jax.experimental import pallas as pl
from jax.experimental.pallas import tpu as pltpu
from jax.experimental.pallas import tpu_sc as plsc

_B = 16
_TOTAL_UIH = 32768
_NUM_CAND = 128
_DIM = 128
_TOTAL_CAND = _B * _NUM_CAND
_TOTAL_OUT = _TOTAL_UIH + _TOTAL_CAND
_NW = 32
_UIH_W = _TOTAL_UIH // _NW
_CAND_W = _TOTAL_CAND // _NW
_CHUNK = 128
_NCH_U = _UIH_W // _CHUNK
_NCH = _NCH_U + 1
_NBUF = 4
_S = _CHUNK // 16

_mesh = plsc.VectorSubcoreMesh(core_axis_name="c", subcore_axis_name="s")


def _dyn_gather(vec, idx):
    return vec.at[idx].get(mode="promise_in_bounds")


@functools.partial(
    pl.kernel,
    mesh=_mesh,
    out_type=(
        jax.ShapeDtypeStruct((_TOTAL_OUT, _DIM), jnp.float32),
        jax.ShapeDtypeStruct((_B,), jnp.int32),
        jax.ShapeDtypeStruct((_B,), jnp.int32),
        jax.ShapeDtypeStruct((_B,), jnp.int32),
        jax.ShapeDtypeStruct((_TOTAL_UIH,), jnp.int32),
    ),
    compiler_params=pltpu.CompilerParams(needs_layout_passes=False),
    scratch_types=[
        pltpu.VMEM((_UIH_W,), jnp.int32),
        pltpu.VMEM((_CAND_W,), jnp.int32),
        pltpu.VMEM((16,), jnp.int32),
        pltpu.VMEM((_NCH_U, _CHUNK), jnp.int32),
        pltpu.VMEM((1, _CAND_W), jnp.int32),
        pltpu.VMEM((_NBUF, _CHUNK, _DIM), jnp.float32),
        pltpu.VMEM((_CAND_W, _DIM), jnp.float32),
        pltpu.VMEM((16,), jnp.int32),
        pltpu.VMEM((_UIH_W,), jnp.int32),
        pltpu.SemaphoreType.DMA,
        pltpu.SemaphoreType.DMA,
        pltpu.SemaphoreType.DMA,
        pltpu.SemaphoreType.DMA,
        pltpu.SemaphoreType.DMA,
    ],
)
def _sc_kernel(uih_hbm, cand_hbm, inner_hbm, ts_hbm, table_hbm,
               out_hbm, olen_hbm, ulen_hbm, ncand_hbm, ts_out_hbm,
               ids_u, ids_c, off_v, dest_v, dest_c, rows_v, rows_c,
               small_v, ts_v, sem_s, sem_g, sem_w, sem_t, sem_c):
    wid = lax.axis_index("s") * 2 + lax.axis_index("c")
    ubase = wid * _UIH_W
    cbase = wid * _CAND_W

    st_u = pltpu.async_copy(uih_hbm.at[pl.ds(ubase, _UIH_W)], ids_u, sem_s)
    st_c = pltpu.async_copy(cand_hbm.at[pl.ds(cbase, _CAND_W)], ids_c, sem_s)
    st_t = pltpu.async_copy(ts_hbm.at[pl.ds(ubase, _UIH_W)], ts_v, sem_t)
    pltpu.sync_copy(inner_hbm, off_v.at[pl.ds(0, _B - 1)])

    iota = lax.iota(jnp.int32, 16)
    v = jnp.where(iota < _B - 1, off_v[...], _TOTAL_UIH)

    def rank16(pos):
        seg = jnp.zeros((16,), jnp.int32)
        for stp in (8, 4, 2, 1):
            probe = _dyn_gather(v, seg + (stp - 1))
            seg = jnp.where(pos >= probe, seg + stp, seg)
        return seg

    def dest_chunk(j):
        def body_u(t, carry):
            k = ubase + j * _CHUNK + t * 16 + iota
            dest_v[j, pl.ds(t * 16, 16)] = k + _NUM_CAND * rank16(k)
            return carry
        lax.fori_loop(0, _S, body_u, 0)

    def dest_cand(t, carry):
        cf = cbase + t * 16 + iota
        i = lax.div(cf, _NUM_CAND)
        c = cf - i * _NUM_CAND
        dest_c[0, pl.ds(t * 16, 16)] = _dyn_gather(v, i) + _NUM_CAND * i + c
        return carry

    def small_outputs():
        u_lo = jnp.where(iota == 0, 0,
                         _dyn_gather(v, jnp.maximum(iota - 1, 0)))
        ulen = v - u_lo
        small_v[...] = ulen
        pltpu.sync_copy(small_v, ulen_hbm)
        small_v[...] = ulen + _NUM_CAND
        pltpu.sync_copy(small_v, olen_hbm)
        small_v[...] = jnp.full((16,), _NUM_CAND, jnp.int32)
        pltpu.sync_copy(small_v, ncand_hbm)

    lax.fori_loop(0, _CAND_W // 16, dest_cand, 0)
    dest_chunk(0)
    dest_chunk(1)
    st_u.wait()
    st_c.wait()
    g_c = pltpu.async_copy(table_hbm.at[ids_c], rows_c, sem_c)

    gathers = [None] * _NCH_U
    writes = [None] * _NCH_U
    for j in range(_NCH_U):
        if j >= _NBUF:
            writes[j - _NBUF].wait()
        gathers[j] = pltpu.async_copy(
            table_hbm.at[ids_u.at[pl.ds(j * _CHUNK, _CHUNK)]],
            rows_v.at[j % _NBUF], sem_g)
        if j + 2 < _NCH_U:
            dest_chunk(j + 2)
        if j > 0:
            gathers[j - 1].wait()
            writes[j - 1] = pltpu.async_copy(
                rows_v.at[(j - 1) % _NBUF],
                out_hbm.at[dest_v.at[j - 1]], sem_w)
    gathers[_NCH_U - 1].wait()
    writes[_NCH_U - 1] = pltpu.async_copy(
        rows_v.at[(_NCH_U - 1) % _NBUF],
        out_hbm.at[dest_v.at[_NCH_U - 1]], sem_w)

    g_c.wait()
    w_c = pltpu.async_copy(rows_c, out_hbm.at[dest_c.at[0]], sem_c)
    pl.when(wid == 0)(small_outputs)
    st_t.wait()
    pltpu.sync_copy(ts_v, ts_out_hbm.at[pl.ds(ubase, _UIH_W)])
    for j in range(_NCH_U - _NBUF, _NCH_U):
        writes[j].wait()
    w_c.wait()


def kernel(uih_values, uih_inner_offsets, cand_values, uih_timestamps, table):
    emb, out_lengths, uih_seq_lengths, num_candidates, ts = _sc_kernel(
        uih_values.astype(jnp.int32),
        cand_values.astype(jnp.int32),
        uih_inner_offsets.astype(jnp.int32),
        uih_timestamps.astype(jnp.int32),
        table,
    )
    return (emb, out_lengths, ts, uih_seq_lengths, num_candidates)

# --- scband reference (transcript-rebuilt; emitter-appended) ---
"""Pipeline reference for scband-hstusparse-script-module-18468359373269 (READ-ONLY COPY).

The authoritative reference and input builder live on the scoring server;
editing this copy changes nothing except your own understanding.
"""

import jax, jax.numpy as jnp
import numpy as np

B = 16
TOTAL_UIH = 32768
NUM_CAND = 128
VOCAB = 1000000
DIM = 128


def setup_inputs(seed: int = 0) -> dict:
    key = jax.random.key(seed)
    k1, k2, k3, k4, k5 = jax.random.split(key, 5)
    uih_values = jax.random.randint(k1, (TOTAL_UIH,), 0, VOCAB, dtype=jnp.int32)
    uih_inner_offsets = jnp.sort(jax.random.randint(k2, (B - 1,), 0, TOTAL_UIH, dtype=jnp.int32))
    cand_values = jax.random.randint(k3, (B * NUM_CAND,), 0, VOCAB, dtype=jnp.int32)
    uih_timestamps = jax.random.randint(k4, (TOTAL_UIH,), 0, 10000000, dtype=jnp.int32)
    # learned parameter: embedding table (item_id feature)
    table = jax.random.normal(k5, (VOCAB, DIM), dtype=jnp.float32) * 0.02
    return {
        "uih_values": uih_values,
        "uih_inner_offsets": uih_inner_offsets,
        "cand_values": cand_values,
        "uih_timestamps": uih_timestamps,
        "table": table,
    }


def reference(uih_values, uih_inner_offsets, cand_values, uih_timestamps, table):
    # Reconstruct jagged UIH offsets/lengths (KeyedJaggedTensor semantics)
    b = uih_inner_offsets.shape[0] + 1
    total_uih = uih_values.shape[0]
    nc = cand_values.shape[0] // b
    uih_offsets = jnp.concatenate([
        jnp.zeros((1,), dtype=jnp.int32),
        uih_inner_offsets.astype(jnp.int32),
        jnp.array([total_uih], dtype=jnp.int32),
    ])
    uih_seq_lengths = uih_offsets[1:] - uih_offsets[:-1]
    num_candidates = jnp.full((b,), nc, dtype=jnp.int32)

    # Per-user concat of UIH history ids + candidate ids (jagged concat),
    # as done inside HSTUSparseInferenceModule before embedding lookup.
    out_lengths = uih_seq_lengths + nc
    out_offsets = jnp.concatenate([
        jnp.zeros((1,), dtype=jnp.int32),
        jnp.cumsum(out_lengths).astype(jnp.int32),
    ])
    total_out = total_uih + nc * b
    pos = jnp.arange(total_out, dtype=jnp.int32)
    seg = jnp.searchsorted(out_offsets, pos, side="right").astype(jnp.int32) - 1
    local = pos - out_offsets[seg]
    is_cand = local >= uih_seq_lengths[seg]
    src = jnp.concatenate([uih_values, cand_values])
    src_idx = jnp.where(
        is_cand,
        total_uih + seg * nc + (local - uih_seq_lengths[seg]),
        uih_offsets[seg] + local,
    )
    combined_ids = src[src_idx]

    # Embedding lookup (the sparse / memory-bound core op)
    seq_emb_values = jnp.take(table, combined_ids, axis=0)
    seq_emb_lengths = out_lengths
    payload_features = uih_timestamps  # passed-through side feature

    return (seq_emb_values, seq_emb_lengths, payload_features, uih_seq_lengths, num_candidates)

if __name__ == "__main__":
    import jax
    _d = setup_inputs()
    print(jax.jit(kernel)(*tuple(_d.values())))

</pallas_src>

<mosaic_0001>
#map = affine_map<(d0, d1) -> (0)>
#map1 = affine_map<(d0, d1) -> (0, 0)>
module attributes {stable_mosaic.version = 14 : i64} {
  func.func @_sc_kernel(%arg0: i32, %arg1: i32, %arg2: memref<32768xi32, #tpu.memory_space<hbm>>, %arg3: memref<2048xi32, #tpu.memory_space<hbm>>, %arg4: memref<15xi32, #tpu.memory_space<hbm>>, %arg5: memref<32768xi32, #tpu.memory_space<hbm>>, %arg6: memref<1000000x128xf32, #tpu.memory_space<hbm>>, %arg7: memref<34816x128xf32, #tpu.memory_space<hbm>>, %arg8: memref<16xi32, #tpu.memory_space<hbm>>, %arg9: memref<16xi32, #tpu.memory_space<hbm>>, %arg10: memref<16xi32, #tpu.memory_space<hbm>>, %arg11: memref<32768xi32, #tpu.memory_space<hbm>>, %arg12: memref<1024xi32, #tpu.memory_space<vmem>>, %arg13: memref<64xi32, #tpu.memory_space<vmem>>, %arg14: memref<16xi32, #tpu.memory_space<vmem>>, %arg15: memref<8x128xi32, #tpu.memory_space<vmem>>, %arg16: memref<1x64xi32, #tpu.memory_space<vmem>>, %arg17: memref<4x128x128xf32, #tpu.memory_space<vmem>>, %arg18: memref<64x128xf32, #tpu.memory_space<vmem>>, %arg19: memref<16xi32, #tpu.memory_space<vmem>>, %arg20: memref<1024xi32, #tpu.memory_space<vmem>>, %arg21: memref<!tpu.dma_semaphore, #tpu.memory_space<semaphore_mem>>, %arg22: memref<!tpu.dma_semaphore, #tpu.memory_space<semaphore_mem>>, %arg23: memref<!tpu.dma_semaphore, #tpu.memory_space<semaphore_mem>>, %arg24: memref<!tpu.dma_semaphore, #tpu.memory_space<semaphore_mem>>, %arg25: memref<!tpu.dma_semaphore, #tpu.memory_space<semaphore_mem>>) attributes {dimension_semantics = [#tpu.dimension_semantics<core_parallel>, #tpu.dimension_semantics<subcore_parallel>], iteration_bounds = array<i64: 2, 16>, scalar_prefetch = 0 : i64, scratch_operands = 14 : i64, tpu.core_type = #tpu.core_type<sc_vector_subcore>, window_params = [{transform_indices = #map}, {transform_indices = #map}, {transform_indices = #map}, {transform_indices = #map}, {transform_indices = #map1}, {transform_indices = #map1}, {transform_indices = #map}, {transform_indices = #map}, {transform_indices = #map}, {transform_indices = #map}]} {
    %mul3A = arith.constant 2 : i32
    %mul3A_0 = arith.muli %arg1, %mul3A : i32
    %add3A = arith.addi %mul3A_0, %arg0 : i32
    %mul3A_1 = arith.constant 1024 : i32
    %mul3A_2 = arith.muli %add3A, %mul3A_1 : i32
    %mul3A_3 = arith.constant 64 : i32
    %mul3A_4 = arith.muli %add3A, %mul3A_3 : i32
    %dma_start3A = tpu.memref_slice %arg2[%mul3A_2] : memref<32768xi32, #tpu.memory_space<hbm>> -> memref<1024xi32, #tpu.memory_space<hbm>>
    %dma_start3A_5 = tpu.memref_slice %arg2[%mul3A_2] : memref<32768xi32, #tpu.memory_space<hbm>> -> memref<1024xi32, #tpu.memory_space<hbm>>
    tpu.enqueue_dma source(%dma_start3A_5 : memref<1024xi32, #tpu.memory_space<hbm>>) target(%arg12 : memref<1024xi32, #tpu.memory_space<vmem>>) target_semaphore(%arg21 : memref<!tpu.dma_semaphore, #tpu.memory_space<semaphore_mem>>)
    %dma_start3A_6 = tpu.memref_slice %arg3[%mul3A_4] : memref<2048xi32, #tpu.memory_space<hbm>> -> memref<64xi32, #tpu.memory_space<hbm>>
    %dma_start3A_7 = tpu.memref_slice %arg3[%mul3A_4] : memref<2048xi32, #tpu.memory_space<hbm>> -> memref<64xi32, #tpu.memory_space<hbm>>
    tpu.enqueue_dma source(%dma_start3A_7 : memref<64xi32, #tpu.memory_space<hbm>>) target(%arg13 : memref<64xi32, #tpu.memory_space<vmem>>) target_semaphore(%arg21 : memref<!tpu.dma_semaphore, #tpu.memory_space<semaphore_mem>>)
    %dma_start3A_8 = tpu.memref_slice %arg5[%mul3A_2] : memref<32768xi32, #tpu.memory_space<hbm>> -> memref<1024xi32, #tpu.memory_space<hbm>>
    %dma_start3A_9 = tpu.memref_slice %arg5[%mul3A_2] : memref<32768xi32, #tpu.memory_space<hbm>> -> memref<1024xi32, #tpu.memory_space<hbm>>
    tpu.enqueue_dma source(%dma_start3A_9 : memref<1024xi32, #tpu.memory_space<hbm>>) target(%arg20 : memref<1024xi32, #tpu.memory_space<vmem>>) target_semaphore(%arg24 : memref<!tpu.dma_semaphore, #tpu.memory_space<semaphore_mem>>)
    "tpu.region"() ({
      %run_scoped3A = tpu.sem_alloc : memref<!tpu.dma_semaphore, #tpu.memory_space<semaphore_mem>>
      %dma_start3A_445 = arith.constant 0 : i32
      %dma_start3A_446 = tpu.memref_slice %arg14[%dma_start3A_445] : memref<16xi32, #tpu.memory_space<vmem>> -> memref<15xi32, #tpu.memory_space<vmem>>
      %dma_start3A_447 = arith.constant 0 : i32
      %dma_start3A_448 = tpu.memref_slice %arg14[%dma_start3A_447] : memref<16xi32, #tpu.memory_space<vmem>> -> memref<15xi32, #tpu.memory_space<vmem>>
      tpu.enqueue_dma source(%arg4 : memref<15xi32, #tpu.memory_space<hbm>>) target(%dma_start3A_448 : memref<15xi32, #tpu.memory_space<vmem>>) target_semaphore(%run_scoped3A : memref<!tpu.dma_semaphore, #tpu.memory_space<semaphore_mem>>)
      %dma_wait3A_449 = arith.constant 0 : i32
      %dma_wait3A_450 = tpu.memref_slice %arg14[%dma_wait3A_449] : memref<16xi32, #tpu.memory_space<vmem>> -> memref<15xi32, #tpu.memory_space<vmem>>
      %dma_wait3A_451 = arith.constant 0 : i32
      %dma_wait3A_452 = tpu.memref_slice %arg14[%dma_wait3A_451] : memref<16xi32, #tpu.memory_space<vmem>> -> memref<15xi32, #tpu.memory_space<vmem>>
      tpu.wait_dma2 semaphore(%run_scoped3A : memref<!tpu.dma_semaphore, #tpu.memory_space<semaphore_mem>>) src(%arg4 : memref<15xi32, #tpu.memory_space<hbm>>) dst(%dma_wait3A_452 : memref<15xi32, #tpu.memory_space<vmem>>)
      tpu.yield
    }) : () -> ()
    %iota3A = tpu.iota {dimensions = array<i32: 0>} : vector<16xi32>
    %lt3A = arith.constant 15 : i32
    %lt3A_10 = vector.broadcast %lt3A : i32 to vector<16xi32>
    %lt3A_11 = arith.cmpi slt, %iota3A, %lt3A_10 : vector<16xi32>
    %get3A = arith.constant 0 : index
    %get3A_12 = tpu.vector_load %arg14[%get3A] {strides = array<i32>} : memref<16xi32, #tpu.memory_space<vmem>>, vector<16xi32>,
    %jit3A = arith.constant 32768 : i32
    %broadcast_in_dim3A = vector.broadcast %jit3A : i32 to vector<16xi32>
    %select_n3A = arith.select %lt3A_11, %get3A_12, %broadcast_in_dim3A : vector<16xi1>, vector<16xi32>
    %scan3A = arith.constant 0 : i32
    %scan3A_13 = arith.constant 0 : i32
    %scan3A_14 = arith.constant 4 : i32
    %scan3A_15 = arith.addi %scan3A_13, %scan3A_14 : i32
    %scan3A_16 = arith.constant 1 : i32
    scf.for %scan3A_445 = %scan3A_13 to %scan3A_15 step %scan3A_16  : i32 {
      %mul3A_446 = arith.constant 16 : i32
      %mul3A_447 = arith.muli %scan3A_445, %mul3A_446 : i32
      %add3A_448 = arith.addi %mul3A_4, %mul3A_447 : i32
      %add3A_449 = vector.broadcast %add3A_448 : i32 to vector<16xi32>
      %add3A_450 = arith.addi %add3A_449, %iota3A : vector<16xi32>
      %div3A = arith.constant 128 : i32
      %div3A_451 = vector.broadcast %div3A : i32 to vector<16xi32>
      %div3A_452 = arith.divsi %add3A_450, %div3A_451 : vector<16xi32>
      %mul3A_453 = arith.constant 128 : i32
      %mul3A_454 = vector.broadcast %mul3A_453 : i32 to vector<16xi32>
      %mul3A_455 = arith.muli %div3A_452, %mul3A_454 : vector<16xi32>
      %sub3A = arith.subi %add3A_450, %mul3A_455 : vector<16xi32>
      %lt3A_456 = arith.constant 0 : i32
      %lt3A_457 = vector.broadcast %lt3A_456 : i32 to vector<16xi32>
      %lt3A_458 = arith.cmpi slt, %div3A_452, %lt3A_457 : vector<16xi32>
      %add3A_459 = arith.constant 16 : i32
      %add3A_460 = vector.broadcast %add3A_459 : i32 to vector<16xi32>
      %add3A_461 = arith.addi %div3A_452, %add3A_460 : vector<16xi32>
      %select_n3A_462 = arith.select %lt3A_458, %add3A_461, %div3A_452 : vector<16xi1>, vector<16xi32>
      %broadcast_in_dim3A_463 = vector.shape_cast %select_n3A_462 : vector<16xi32> to vector<16x1xi32>
      %gather3A = vector.shape_cast %broadcast_in_dim3A_463 : vector<16x1xi32> to vector<16xi32>
      %gather3A_464 = tpu.dynamic_gather %select_n3A[%gather3A] in [0] : vector<16xi32>, vector<16xi32> -> vector<16xi32>
      %mul3A_465 = arith.constant 128 : i32
      %mul3A_466 = vector.broadcast %mul3A_465 : i32 to vector<16xi32>
      %mul3A_467 = arith.muli %mul3A_466, %div3A_452 : vector<16xi32>
      %add3A_468 = arith.addi %gather3A_464, %mul3A_467 : vector<16xi32>
      %add3A_469 = arith.addi %add3A_468, %sub3A : vector<16xi32>
      %mul3A_470 = arith.constant 16 : i32
      %mul3A_471 = arith.muli %scan3A_445, %mul3A_470 : i32
      %swap3A = arith.constant 0 : i32
      %swap3A_472 = arith.index_cast %swap3A : i32 to index
      %swap3A_473 = arith.index_cast %mul3A_471 : i32 to index
      %swap3A_474 = tpu.vector_load %arg16[%swap3A_472, %swap3A_473] {strides = array<i32>} : memref<1x64xi32, #tpu.memory_space<vmem>>, vector<16xi32>,
      tpu.vector_store %arg16[%swap3A_472, %swap3A_473], %add3A_469 {strides = array<i32>} : memref<1x64xi32, #tpu.memory_space<vmem>>, vector<16xi32>,
    }
    %scan3A_17 = arith.constant 4 : i32
    %scan3A_18 = arith.constant 0 : i32
    %scan3A_19 = arith.constant 0 : i32
    %scan3A_20 = arith.constant 8 : i32
    %scan3A_21 = arith.addi %scan3A_19, %scan3A_20 : i32
    %scan3A_22 = arith.constant 1 : i32
    scf.for %scan3A_445 = %scan3A_19 to %scan3A_21 step %scan3A_22  : i32 {
      %add3A_446 = arith.constant 0 : i32
      %add3A_447 = arith.addi %mul3A_2, %add3A_446 : i32
      %mul3A_448 = arith.constant 16 : i32
      %mul3A_449 = arith.muli %scan3A_445, %mul3A_448 : i32
      %add3A_450 = arith.addi %add3A_447, %mul3A_449 : i32
      %add3A_451 = vector.broadcast %add3A_450 : i32 to vector<16xi32>
      %add3A_452 = arith.addi %add3A_451, %iota3A : vector<16xi32>
      %broadcast_in_dim3A_453 = arith.constant 0 : i32
      %broadcast_in_dim3A_454 = vector.broadcast %broadcast_in_dim3A_453 : i32 to vector<16xi32>
      %add3A_455 = arith.constant 7 : i32
      %add3A_456 = vector.broadcast %add3A_455 : i32 to vector<16xi32>
      %add3A_457 = arith.addi %broadcast_in_dim3A_454, %add3A_456 : vector<16xi32>
      %lt3A_458 = arith.constant 0 : i32
      %lt3A_459 = vector.broadcast %lt3A_458 : i32 to vector<16xi32>
      %lt3A_460 = arith.cmpi slt, %add3A_457, %lt3A_459 : vector<16xi32>
      %add3A_461 = arith.constant 16 : i32
      %add3A_462 = vector.broadcast %add3A_461 : i32 to vector<16xi32>
      %add3A_463 = arith.addi %add3A_457, %add3A_462 : vector<16xi32>
      %select_n3A_464 = arith.select %lt3A_460, %add3A_463, %add3A_457 : vector<16xi1>, vector<16xi32>
      %broadcast_in_dim3A_465 = vector.shape_cast %select_n3A_464 : vector<16xi32> to vector<16x1xi32>
      %gather3A = vector.shape_cast %broadcast_in_dim3A_465 : vector<16x1xi32> to vector<16xi32>
      %gather3A_466 = tpu.dynamic_gather %select_n3A[%gather3A] in [0] : vector<16xi32>, vector<16xi32> -> vector<16xi32>
      %ge3A = arith.cmpi sge, %add3A_452, %gather3A_466 : vector<16xi32>
      %add3A_467 = arith.constant 8 : i32
      %add3A_468 = vector.broadcast %add3A_467 : i32 to vector<16xi32>
      %add3A_469 = arith.addi %broadcast_in_dim3A_454, %add3A_468 : vector<16xi32>
      %select_n3A_470 = arith.select %ge3A, %add3A_469, %broadcast_in_dim3A_454 : vector<16xi1>, vector<16xi32>
      %add3A_471 = arith.constant 3 : i32
      %add3A_472 = vector.broadcast %add3A_471 : i32 to vector<16xi32>
      %add3A_473 = arith.addi %select_n3A_470, %add3A_472 : vector<16xi32>
      %lt3A_474 = arith.constant 0 : i32
      %lt3A_475 = vector.broadcast %lt3A_474 : i32 to vector<16xi32>
      %lt3A_476 = arith.cmpi slt, %add3A_473, %lt3A_475 : vector<16xi32>
      %add3A_477 = arith.constant 16 : i32
      %add3A_478 = vector.broadcast %add3A_477 : i32 to vector<16xi32>
      %add3A_479 = arith.addi %add3A_473, %add3A_478 : vector<16xi32>
      %select_n3A_480 = arith.select %lt3A_476, %add3A_479, %add3A_473 : vector<16xi1>, vector<16xi32>
      %broadcast_in_dim3A_481 = vector.shape_cast %select_n3A_480 : vector<16xi32> to vector<16x1xi32>
      %gather3A_482 = vector.shape_cast %broadcast_in_dim3A_481 : vector<16x1xi32> to vector<16xi32>
      %gather3A_483 = tpu.dynamic_gather %select_n3A[%gather3A_482] in [0] : vector<16xi32>, vector<16xi32> -> vector<16xi32>
      %ge3A_484 = arith.cmpi sge, %add3A_452, %gather3A_483 : vector<16xi32>
      %add3A_485 = arith.constant 4 : i32
      %add3A_486 = vector.broadcast %add3A_485 : i32 to vector<16xi32>
      %add3A_487 = arith.addi %select_n3A_470, %add3A_486 : vector<16xi32>
      %select_n3A_488 = arith.select %ge3A_484, %add3A_487, %select_n3A_470 : vector<16xi1>, vector<16xi32>
      %add3A_489 = arith.constant 1 : i32
      %add3A_490 = vector.broadcast %add3A_489 : i32 to vector<16xi32>
      %add3A_491 = arith.addi %select_n3A_488, %add3A_490 : vector<16xi32>
      %lt3A_492 = arith.constant 0 : i32
      %lt3A_493 = vector.broadcast %lt3A_492 : i32 to vector<16xi32>
      %lt3A_494 = arith.cmpi slt, %add3A_491, %lt3A_493 : vector<16xi32>
      %add3A_495 = arith.constant 16 : i32
      %add3A_496 = vector.broadcast %add3A_495 : i32 to vector<16xi32>
      %add3A_497 = arith.addi %add3A_491, %add3A_496 : vector<16xi32>
      %select_n3A_498 = arith.select %lt3A_494, %add3A_497, %add3A_491 : vector<16xi1>, vector<16xi32>
      %broadcast_in_dim3A_499 = vector.shape_cast %select_n3A_498 : vector<16xi32> to vector<16x1xi32>
      %gather3A_500 = vector.shape_cast %broadcast_in_dim3A_499 : vector<16x1xi32> to vector<16xi32>
      %gather3A_501 = tpu.dynamic_gather %select_n3A[%gather3A_500] in [0] : vector<16xi32>, vector<16xi32> -> vector<16xi32>
      %ge3A_502 = arith.cmpi sge, %add3A_452, %gather3A_501 : vector<16xi32>
      %add3A_503 = arith.constant 2 : i32
      %add3A_504 = vector.broadcast %add3A_503 : i32 to vector<16xi32>
      %add3A_505 = arith.addi %select_n3A_488, %add3A_504 : vector<16xi32>
      %select_n3A_506 = arith.select %ge3A_502, %add3A_505, %select_n3A_488 : vector<16xi1>, vector<16xi32>
      %add3A_507 = arith.constant 0 : i32
      %add3A_508 = vector.broadcast %add3A_507 : i32 to vector<16xi32>
      %add3A_509 = arith.addi %select_n3A_506, %add3A_508 : vector<16xi32>
      %lt3A_510 = arith.constant 0 : i32
      %lt3A_511 = vector.broadcast %lt3A_510 : i32 to vector<16xi32>
      %lt3A_512 = arith.cmpi slt, %add3A_509, %lt3A_511 : vector<16xi32>
      %add3A_513 = arith.constant 16 : i32
      %add3A_514 = vector.broadcast %add3A_513 : i32 to vector<16xi32>
      %add3A_515 = arith.addi %add3A_509, %add3A_514 : vector<16xi32>
      %select_n3A_516 = arith.select %lt3A_512, %add3A_515, %add3A_509 : vector<16xi1>, vector<16xi32>
      %broadcast_in_dim3A_517 = vector.shape_cast %select_n3A_516 : vector<16xi32> to vector<16x1xi32>
      %gather3A_518 = vector.shape_cast %broadcast_in_dim3A_517 : vector<16x1xi32> to vector<16xi32>
      %gather3A_519 = tpu.dynamic_gather %select_n3A[%gather3A_518] in [0] : vector<16xi32>, vector<16xi32> -> vector<16xi32>
      %ge3A_520 = arith.cmpi sge, %add3A_452, %gather3A_519 : vector<16xi32>
      %add3A_521 = arith.constant 1 : i32
      %add3A_522 = vector.broadcast %add3A_521 : i32 to vector<16xi32>
      %add3A_523 = arith.addi %select_n3A_506, %add3A_522 : vector<16xi32>
      %select_n3A_524 = arith.select %ge3A_520, %add3A_523, %select_n3A_506 : vector<16xi1>, vector<16xi32>
      %mul3A_525 = arith.constant 128 : i32
      %mul3A_526 = vector.broadcast %mul3A_525 : i32 to vector<16xi32>
      %mul3A_527 = arith.muli %mul3A_526, %select_n3A_524 : vector<16xi32>
      %add3A_528 = arith.addi %add3A_452, %mul3A_527 : vector<16xi32>
      %mul3A_529 = arith.constant 16 : i32
      %mul3A_530 = arith.muli %scan3A_445, %mul3A_529 : i32
      %swap3A = arith.constant 0 : i32
      %swap3A_531 = arith.index_cast %swap3A : i32 to index
      %swap3A_532 = arith.index_cast %mul3A_530 : i32 to index
      %swap3A_533 = tpu.vector_load %arg15[%swap3A_531, %swap3A_532] {strides = array<i32>} : memref<8x128xi32, #tpu.memory_space<vmem>>, vector<16xi32>,
      tpu.vector_store %arg15[%swap3A_531, %swap3A_532], %add3A_528 {strides = array<i32>} : memref<8x128xi32, #tpu.memory_space<vmem>>, vector<16xi32>,
    }
    %scan3A_23 = arith.constant 8 : i32
    %scan3A_24 = arith.constant 0 : i32
    %scan3A_25 = arith.constant 0 : i32
    %scan3A_26 = arith.constant 8 : i32
    %scan3A_27 = arith.addi %scan3A_25, %scan3A_26 : i32
    %scan3A_28 = arith.constant 1 : i32
    scf.for %scan3A_445 = %scan3A_25 to %scan3A_27 step %scan3A_28  : i32 {
      %add3A_446 = arith.constant 128 : i32
      %add3A_447 = arith.addi %mul3A_2, %add3A_446 : i32
      %mul3A_448 = arith.constant 16 : i32
      %mul3A_449 = arith.muli %scan3A_445, %mul3A_448 : i32
      %add3A_450 = arith.addi %add3A_447, %mul3A_449 : i32
      %add3A_451 = vector.broadcast %add3A_450 : i32 to vector<16xi32>
      %add3A_452 = arith.addi %add3A_451, %iota3A : vector<16xi32>
      %broadcast_in_dim3A_453 = arith.constant 0 : i32
      %broadcast_in_dim3A_454 = vector.broadcast %broadcast_in_dim3A_453 : i32 to vector<16xi32>
      %add3A_455 = arith.constant 7 : i32
      %add3A_456 = vector.broadcast %add3A_455 : i32 to vector<16xi32>
      %add3A_457 = arith.addi %broadcast_in_dim3A_454, %add3A_456 : vector<16xi32>
      %lt3A_458 = arith.constant 0 : i32
      %lt3A_459 = vector.broadcast %lt3A_458 : i32 to vector<16xi32>
      %lt3A_460 = arith.cmpi slt, %add3A_457, %lt3A_459 : vector<16xi32>
      %add3A_461 = arith.constant 16 : i32
      %add3A_462 = vector.broadcast %add3A_461 : i32 to vector<16xi32>
      %add3A_463 = arith.addi %add3A_457, %add3A_462 : vector<16xi32>
      %select_n3A_464 = arith.select %lt3A_460, %add3A_463, %add3A_457 : vector<16xi1>, vector<16xi32>
      %broadcast_in_dim3A_465 = vector.shape_cast %select_n3A_464 : vector<16xi32> to vector<16x1xi32>
      %gather3A = vector.shape_cast %broadcast_in_dim3A_465 : vector<16x1xi32> to vector<16xi32>
      %gather3A_466 = tpu.dynamic_gather %select_n3A[%gather3A] in [0] : vector<16xi32>, vector<16xi32> -> vector<16xi32>
      %ge3A = arith.cmpi sge, %add3A_452, %gather3A_466 : vector<16xi32>
      %add3A_467 = arith.constant 8 : i32
      %add3A_468 = vector.broadcast %add3A_467 : i32 to vector<16xi32>
      %add3A_469 = arith.addi %broadcast_in_dim3A_454, %add3A_468 : vector<16xi32>
      %select_n3A_470 = arith.select %ge3A, %add3A_469, %broadcast_in_dim3A_454 : vector<16xi1>, vector<16xi32>
      %add3A_471 = arith.constant 3 : i32
      %add3A_472 = vector.broadcast %add3A_471 : i32 to vector<16xi32>
      %add3A_473 = arith.addi %select_n3A_470, %add3A_472 : vector<16xi32>
      %lt3A_474 = arith.constant 0 : i32
      %lt3A_475 = vector.broadcast %lt3A_474 : i32 to vector<16xi32>
      %lt3A_476 = arith.cmpi slt, %add3A_473, %lt3A_475 : vector<16xi32>
      %add3A_477 = arith.constant 16 : i32
      %add3A_478 = vector.broadcast %add3A_477 : i32 to vector<16xi32>
      %add3A_479 = arith.addi %add3A_473, %add3A_478 : vector<16xi32>
      %select_n3A_480 = arith.select %lt3A_476, %add3A_479, %add3A_473 : vector<16xi1>, vector<16xi32>
      %broadcast_in_dim3A_481 = vector.shape_cast %select_n3A_480 : vector<16xi32> to vector<16x1xi32>
      %gather3A_482 = vector.shape_cast %broadcast_in_dim3A_481 : vector<16x1xi32> to vector<16xi32>
      %gather3A_483 = tpu.dynamic_gather %select_n3A[%gather3A_482] in [0] : vector<16xi32>, vector<16xi32> -> vector<16xi32>
      %ge3A_484 = arith.cmpi sge, %add3A_452, %gather3A_483 : vector<16xi32>
      %add3A_485 = arith.constant 4 : i32
      %add3A_486 = vector.broadcast %add3A_485 : i32 to vector<16xi32>
      %add3A_487 = arith.addi %select_n3A_470, %add3A_486 : vector<16xi32>
      %select_n3A_488 = arith.select %ge3A_484, %add3A_487, %select_n3A_470 : vector<16xi1>, vector<16xi32>
      %add3A_489 = arith.constant 1 : i32
      %add3A_490 = vector.broadcast %add3A_489 : i32 to vector<16xi32>
      %add3A_491 = arith.addi %select_n3A_488, %add3A_490 : vector<16xi32>
      %lt3A_492 = arith.constant 0 : i32
      %lt3A_493 = vector.broadcast %lt3A_492 : i32 to vector<16xi32>
      %lt3A_494 = arith.cmpi slt, %add3A_491, %lt3A_493 : vector<16xi32>
      %add3A_495 = arith.constant 16 : i32
      %add3A_496 = vector.broadcast %add3A_495 : i32 to vector<16xi32>
      %add3A_497 = arith.addi %add3A_491, %add3A_496 : vector<16xi32>
      %select_n3A_498 = arith.select %lt3A_494, %add3A_497, %add3A_491 : vector<16xi1>, vector<16xi32>
      %broadcast_in_dim3A_499 = vector.shape_cast %select_n3A_498 : vector<16xi32> to vector<16x1xi32>
      %gather3A_500 = vector.shape_cast %broadcast_in_dim3A_499 : vector<16x1xi32> to vector<16xi32>
      %gather3A_501 = tpu.dynamic_gather %select_n3A[%gather3A_500] in [0] : vector<16xi32>, vector<16xi32> -> vector<16xi32>
      %ge3A_502 = arith.cmpi sge, %add3A_452, %gather3A_501 : vector<16xi32>
      %add3A_503 = arith.constant 2 : i32
      %add3A_504 = vector.broadcast %add3A_503 : i32 to vector<16xi32>
      %add3A_505 = arith.addi %select_n3A_488, %add3A_504 : vector<16xi32>
      %select_n3A_506 = arith.select %ge3A_502, %add3A_505, %select_n3A_488 : vector<16xi1>, vector<16xi32>
      %add3A_507 = arith.constant 0 : i32
      %add3A_508 = vector.broadcast %add3A_507 : i32 to vector<16xi32>
      %add3A_509 = arith.addi %select_n3A_506, %add3A_508 : vector<16xi32>
      %lt3A_510 = arith.constant 0 : i32
      %lt3A_511 = vector.broadcast %lt3A_510 : i32 to vector<16xi32>
      %lt3A_512 = arith.cmpi slt, %add3A_509, %lt3A_511 : vector<16xi32>
      %add3A_513 = arith.constant 16 : i32
      %add3A_514 = vector.broadcast %add3A_513 : i32 to vector<16xi32>
      %add3A_515 = arith.addi %add3A_509, %add3A_514 : vector<16xi32>
      %select_n3A_516 = arith.select %lt3A_512, %add3A_515, %add3A_509 : vector<16xi1>, vector<16xi32>
      %broadcast_in_dim3A_517 = vector.shape_cast %select_n3A_516 : vector<16xi32> to vector<16x1xi32>
      %gather3A_518 = vector.shape_cast %broadcast_in_dim3A_517 : vector<16x1xi32> to vector<16xi32>
      %gather3A_519 = tpu.dynamic_gather %select_n3A[%gather3A_518] in [0] : vector<16xi32>, vector<16xi32> -> vector<16xi32>
      %ge3A_520 = arith.cmpi sge, %add3A_452, %gather3A_519 : vector<16xi32>
      %add3A_521 = arith.constant 1 : i32
      %add3A_522 = vector.broadcast %add3A_521 : i32 to vector<16xi32>
      %add3A_523 = arith.addi %select_n3A_506, %add3A_522 : vector<16xi32>
      %select_n3A_524 = arith.select %ge3A_520, %add3A_523, %select_n3A_506 : vector<16xi1>, vector<16xi32>
      %mul3A_525 = arith.constant 128 : i32
      %mul3A_526 = vector.broadcast %mul3A_525 : i32 to vector<16xi32>
      %mul3A_527 = arith.muli %mul3A_526, %select_n3A_524 : vector<16xi32>
      %add3A_528 = arith.addi %add3A_452, %mul3A_527 : vector<16xi32>
      %mul3A_529 = arith.constant 16 : i32
      %mul3A_530 = arith.muli %scan3A_445, %mul3A_529 : i32
      %swap3A = arith.constant 1 : i32
      %swap3A_531 = arith.index_cast %swap3A : i32 to index
      %swap3A_532 = arith.index_cast %mul3A_530 : i32 to index
      %swap3A_533 = tpu.vector_load %arg15[%swap3A_531, %swap3A_532] {strides = array<i32>} : memref<8x128xi32, #tpu.memory_space<vmem>>, vector<16xi32>,
      tpu.vector_store %arg15[%swap3A_531, %swap3A_532], %add3A_528 {strides = array<i32>} : memref<8x128xi32, #tpu.memory_space<vmem>>, vector<16xi32>,
    }
    %scan3A_29 = arith.constant 8 : i32
    %dma_wait3A = tpu.memref_slice %arg2[%mul3A_2] : memref<32768xi32, #tpu.memory_space<hbm>> -> memref<1024xi32, #tpu.memory_space<hbm>>
    %dma_wait3A_30 = tpu.memref_slice %arg2[%mul3A_2] : memref<32768xi32, #tpu.memory_space<hbm>> -> memref<1024xi32, #tpu.memory_space<hbm>>
    tpu.wait_dma2 semaphore(%arg21 : memref<!tpu.dma_semaphore, #tpu.memory_space<semaphore_mem>>) src(%dma_wait3A_30 : memref<1024xi32, #tpu.memory_space<hbm>>) dst(%arg12 : memref<1024xi32, #tpu.memory_space<vmem>>)
    %dma_wait3A_31 = tpu.memref_slice %arg3[%mul3A_4] : memref<2048xi32, #tpu.memory_space<hbm>> -> memref<64xi32, #tpu.memory_space<hbm>>
    %dma_wait3A_32 = tpu.memref_slice %arg3[%mul3A_4] : memref<2048xi32, #tpu.memory_space<hbm>> -> memref<64xi32, #tpu.memory_space<hbm>>
    tpu.wait_dma2 semaphore(%arg21 : memref<!tpu.dma_semaphore, #tpu.memory_space<semaphore_mem>>) src(%dma_wait3A_32 : memref<64xi32, #tpu.memory_space<hbm>>) dst(%arg13 : memref<64xi32, #tpu.memory_space<vmem>>)
    %dma_start3A_33 = arith.constant 0 : i32
    %dma_start3A_34 = arith.constant 0 : i32
    %dma_start3A_35 = tpu.memref_slice %arg6[%dma_start3A_33, %dma_start3A_34] : memref<1000000x128xf32, #tpu.memory_space<hbm>> -> memref<1000000x128xf32, #tpu.memory_space<hbm>>
    tpu.enqueue_indirect_dma source(%dma_start3A_35 : memref<1000000x128xf32, #tpu.memory_space<hbm>>) target(%arg18 : memref<64x128xf32, #tpu.memory_space<vmem>>) offsets(%arg13 : memref<64xi32, #tpu.memory_space<vmem>>) semaphore(%arg25 : memref<!tpu.dma_semaphore, #tpu.memory_space<semaphore_mem>>)
    %dma_start3A_36 = arith.constant 0 : i32
    %dma_start3A_37 = arith.constant 0 : i32
    %dma_start3A_38 = arith.constant 0 : i32
    %dma_start3A_39 = tpu.memref_slice %arg17[%dma_start3A_36, %dma_start3A_37, %dma_start3A_38] : memref<4x128x128xf32, #tpu.memory_space<vmem>> -> memref<1x128x128xf32, #tpu.memory_space<vmem>>
    %dma_start3A_40 = tpu.memref_squeeze %dma_start3A_39 : memref<1x128x128xf32, #tpu.memory_space<vmem>> -> memref<128x128xf32, #tpu.memory_space<vmem>>
    %dma_start3A_41 = arith.constant 0 : i32
    %dma_start3A_42 = tpu.memref_slice %arg12[%dma_start3A_41] : memref<1024xi32, #tpu.memory_space<vmem>> -> memref<128xi32, #tpu.memory_space<vmem>>
    %dma_start3A_43 = arith.constant 0 : i32
    %dma_start3A_44 = arith.constant 0 : i32
    %dma_start3A_45 = tpu.memref_slice %arg6[%dma_start3A_43, %dma_start3A_44] : memref<1000000x128xf32, #tpu.memory_space<hbm>> -> memref<1000000x128xf32, #tpu.memory_space<hbm>>
    tpu.enqueue_indirect_dma source(%dma_start3A_45 : memref<1000000x128xf32, #tpu.memory_space<hbm>>) target(%dma_start3A_40 : memref<128x128xf32, #tpu.memory_space<vmem>>) offsets(%dma_start3A_42 : memref<128xi32, #tpu.memory_space<vmem>>) semaphore(%arg22 : memref<!tpu.dma_semaphore, #tpu.memory_space<semaphore_mem>>)
    %scan3A_46 = arith.constant 0 : i32
    %scan3A_47 = arith.constant 0 : i32
    %scan3A_48 = arith.constant 8 : i32
    %scan3A_49 = arith.addi %scan3A_47, %scan3A_48 : i32
    %scan3A_50 = arith.constant 1 : i32
    scf.for %scan3A_445 = %scan3A_47 to %scan3A_49 step %scan3A_50  : i32 {
      %add3A_446 = arith.constant 256 : i32
      %add3A_447 = arith.addi %mul3A_2, %add3A_446 : i32
      %mul3A_448 = arith.constant 16 : i32
      %mul3A_449 = arith.muli %scan3A_445, %mul3A_448 : i32
      %add3A_450 = arith.addi %add3A_447, %mul3A_449 : i32
      %add3A_451 = vector.broadcast %add3A_450 : i32 to vector<16xi32>
      %add3A_452 = arith.addi %add3A_451, %iota3A : vector<16xi32>
      %broadcast_in_dim3A_453 = arith.constant 0 : i32
      %broadcast_in_dim3A_454 = vector.broadcast %broadcast_in_dim3A_453 : i32 to vector<16xi32>
      %add3A_455 = arith.constant 7 : i32
      %add3A_456 = vector.broadcast %add3A_455 : i32 to vector<16xi32>
      %add3A_457 = arith.addi %broadcast_in_dim3A_454, %add3A_456 : vector<16xi32>
      %lt3A_458 = arith.constant 0 : i32
      %lt3A_459 = vector.broadcast %lt3A_458 : i32 to vector<16xi32>
      %lt3A_460 = arith.cmpi slt, %add3A_457, %lt3A_459 : vector<16xi32>
      %add3A_461 = arith.constant 16 : i32
      %add3A_462 = vector.broadcast %add3A_461 : i32 to vector<16xi32>
      %add3A_463 = arith.addi %add3A_457, %add3A_462 : vector<16xi32>
      %select_n3A_464 = arith.select %lt3A_460, %add3A_463, %add3A_457 : vector<16xi1>, vector<16xi32>
      %broadcast_in_dim3A_465 = vector.shape_cast %select_n3A_464 : vector<16xi32> to vector<16x1xi32>
      %gather3A = vector.shape_cast %broadcast_in_dim3A_465 : vector<16x1xi32> to vector<16xi32>
      %gather3A_466 = tpu.dynamic_gather %select_n3A[%gather3A] in [0] : vector<16xi32>, vector<16xi32> -> vector<16xi32>
      %ge3A = arith.cmpi sge, %add3A_452, %gather3A_466 : vector<16xi32>
      %add3A_467 = arith.constant 8 : i32
      %add3A_468 = vector.broadcast %add3A_467 : i32 to vector<16xi32>
      %add3A_469 = arith.addi %broadcast_in_dim3A_454, %add3A_468 : vector<16xi32>
      %select_n3A_470 = arith.select %ge3A, %add3A_469, %broadcast_in_dim3A_454 : vector<16xi1>, vector<16xi32>
      %add3A_471 = arith.constant 3 : i32
      %add3A_472 = vector.broadcast %add3A_471 : i32 to vector<16xi32>
      %add3A_473 = arith.addi %select_n3A_470, %add3A_472 : vector<16xi32>
      %lt3A_474 = arith.constant 0 : i32
      %lt3A_475 = vector.broadcast %lt3A_474 : i32 to vector<16xi32>
      %lt3A_476 = arith.cmpi slt, %add3A_473, %lt3A_475 : vector<16xi32>
      %add3A_477 = arith.constant 16 : i32
      %add3A_478 = vector.broadcast %add3A_477 : i32 to vector<16xi32>
      %add3A_479 = arith.addi %add3A_473, %add3A_478 : vector<16xi32>
      %select_n3A_480 = arith.select %lt3A_476, %add3A_479, %add3A_473 : vector<16xi1>, vector<16xi32>
      %broadcast_in_dim3A_481 = vector.shape_cast %select_n3A_480 : vector<16xi32> to vector<16x1xi32>
      %gather3A_482 = vector.shape_cast %broadcast_in_dim3A_481 : vector<16x1xi32> to vector<16xi32>
      %gather3A_483 = tpu.dynamic_gather %select_n3A[%gather3A_482] in [0] : vector<16xi32>, vector<16xi32> -> vector<16xi32>
      %ge3A_484 = arith.cmpi sge, %add3A_452, %gather3A_483 : vector<16xi32>
      %add3A_485 = arith.constant 4 : i32
      %add3A_486 = vector.broadcast %add3A_485 : i32 to vector<16xi32>
      %add3A_487 = arith.addi %select_n3A_470, %add3A_486 : vector<16xi32>
      %select_n3A_488 = arith.select %ge3A_484, %add3A_487, %select_n3A_470 : vector<16xi1>, vector<16xi32>
      %add3A_489 = arith.constant 1 : i32
      %add3A_490 = vector.broadcast %add3A_489 : i32 to vector<16xi32>
      %add3A_491 = arith.addi %select_n3A_488, %add3A_490 : vector<16xi32>
      %lt3A_492 = arith.constant 0 : i32
      %lt3A_493 = vector.broadcast %lt3A_492 : i32 to vector<16xi32>
      %lt3A_494 = arith.cmpi slt, %add3A_491, %lt3A_493 : vector<16xi32>
      %add3A_495 = arith.constant 16 : i32
      %add3A_496 = vector.broadcast %add3A_495 : i32 to vector<16xi32>
      %add3A_497 = arith.addi %add3A_491, %add3A_496 : vector<16xi32>
      %select_n3A_498 = arith.select %lt3A_494, %add3A_497, %add3A_491 : vector<16xi1>, vector<16xi32>
      %broadcast_in_dim3A_499 = vector.shape_cast %select_n3A_498 : vector<16xi32> to vector<16x1xi32>
      %gather3A_500 = vector.shape_cast %broadcast_in_dim3A_499 : vector<16x1xi32> to vector<16xi32>
      %gather3A_501 = tpu.dynamic_gather %select_n3A[%gather3A_500] in [0] : vector<16xi32>, vector<16xi32> -> vector<16xi32>
      %ge3A_502 = arith.cmpi sge, %add3A_452, %gather3A_501 : vector<16xi32>
      %add3A_503 = arith.constant 2 : i32
      %add3A_504 = vector.broadcast %add3A_503 : i32 to vector<16xi32>
      %add3A_505 = arith.addi %select_n3A_488, %add3A_504 : vector<16xi32>
      %select_n3A_506 = arith.select %ge3A_502, %add3A_505, %select_n3A_488 : vector<16xi1>, vector<16xi32>
      %add3A_507 = arith.constant 0 : i32
      %add3A_508 = vector.broadcast %add3A_507 : i32 to vector<16xi32>
      %add3A_509 = arith.addi %select_n3A_506, %add3A_508 : vector<16xi32>
      %lt3A_510 = arith.constant 0 : i32
      %lt3A_511 = vector.broadcast %lt3A_510 : i32 to vector<16xi32>
      %lt3A_512 = arith.cmpi slt, %add3A_509, %lt3A_511 : vector<16xi32>
      %add3A_513 = arith.constant 16 : i32
      %add3A_514 = vector.broadcast %add3A_513 : i32 to vector<16xi32>
      %add3A_515 = arith.addi %add3A_509, %add3A_514 : vector<16xi32>
      %select_n3A_516 = arith.select %lt3A_512, %add3A_515, %add3A_509 : vector<16xi1>, vector<16xi32>
      %broadcast_in_dim3A_517 = vector.shape_cast %select_n3A_516 : vector<16xi32> to vector<16x1xi32>
      %gather3A_518 = vector.shape_cast %broadcast_in_dim3A_517 : vector<16x1xi32> to vector<16xi32>
      %gather3A_519 = tpu.dynamic_gather %select_n3A[%gather3A_518] in [0] : vector<16xi32>, vector<16xi32> -> vector<16xi32>
      %ge3A_520 = arith.cmpi sge, %add3A_452, %gather3A_519 : vector<16xi32>
      %add3A_521 = arith.constant 1 : i32
      %add3A_522 = vector.broadcast %add3A_521 : i32 to vector<16xi32>
      %add3A_523 = arith.addi %select_n3A_506, %add3A_522 : vector<16xi32>
      %select_n3A_524 = arith.select %ge3A_520, %add3A_523, %select_n3A_506 : vector<16xi1>, vector<16xi32>
      %mul3A_525 = arith.constant 128 : i32
      %mul3A_526 = vector.broadcast %mul3A_525 : i32 to vector<16xi32>
      %mul3A_527 = arith.muli %mul3A_526, %select_n3A_524 : vector<16xi32>
      %add3A_528 = arith.addi %add3A_452, %mul3A_527 : vector<16xi32>
      %mul3A_529 = arith.constant 16 : i32
      %mul3A_530 = arith.muli %scan3A_445, %mul3A_529 : i32
      %swap3A = arith.constant 2 : i32
      %swap3A_531 = arith.index_cast %swap3A : i32 to index
      %swap3A_532 = arith.index_cast %mul3A_530 : i32 to index
      %swap3A_533 = tpu.vector_load %arg15[%swap3A_531, %swap3A_532] {strides = array<i32>} : memref<8x128xi32, #tpu.memory_space<vmem>>, vector<16xi32>,
      tpu.vector_store %arg15[%swap3A_531, %swap3A_532], %add3A_528 {strides = array<i32>} : memref<8x128xi32, #tpu.memory_space<vmem>>, vector<16xi32>,
    }
    %scan3A_51 = arith.constant 8 : i32
    %dma_start3A_52 = arith.constant 1 : i32
    %dma_start3A_53 = arith.constant 0 : i32
    %dma_start3A_54 = arith.constant 0 : i32
    %dma_start3A_55 = tpu.memref_slice %arg17[%dma_start3A_52, %dma_start3A_53, %dma_start3A_54] : memref<4x128x128xf32, #tpu.memory_space<vmem>> -> memref<1x128x128xf32, #tpu.memory_space<vmem>>
    %dma_start3A_56 = tpu.memref_squeeze %dma_start3A_55 : memref<1x128x128xf32, #tpu.memory_space<vmem>> -> memref<128x128xf32, #tpu.memory_space<vmem>>
    %dma_start3A_57 = arith.constant 128 : i32
    %dma_start3A_58 = tpu.memref_slice %arg12[%dma_start3A_57] : memref<1024xi32, #tpu.memory_space<vmem>> -> memref<128xi32, #tpu.memory_space<vmem>>
    %dma_start3A_59 = arith.constant 0 : i32
    %dma_start3A_60 = arith.constant 0 : i32
    %dma_start3A_61 = tpu.memref_slice %arg6[%dma_start3A_59, %dma_start3A_60] : memref<1000000x128xf32, #tpu.memory_space<hbm>> -> memref<1000000x128xf32, #tpu.memory_space<hbm>>
    tpu.enqueue_indirect_dma source(%dma_start3A_61 : memref<1000000x128xf32, #tpu.memory_space<hbm>>) target(%dma_start3A_56 : memref<128x128xf32, #tpu.memory_space<vmem>>) offsets(%dma_start3A_58 : memref<128xi32, #tpu.memory_space<vmem>>) semaphore(%arg22 : memref<!tpu.dma_semaphore, #tpu.memory_space<semaphore_mem>>)
    %scan3A_62 = arith.constant 0 : i32
    %scan3A_63 = arith.constant 0 : i32
    %scan3A_64 = arith.constant 8 : i32
    %scan3A_65 = arith.addi %scan3A_63, %scan3A_64 : i32
    %scan3A_66 = arith.constant 1 : i32
    scf.for %scan3A_445 = %scan3A_63 to %scan3A_65 step %scan3A_66  : i32 {
      %add3A_446 = arith.constant 384 : i32
      %add3A_447 = arith.addi %mul3A_2, %add3A_446 : i32
      %mul3A_448 = arith.constant 16 : i32
      %mul3A_449 = arith.muli %scan3A_445, %mul3A_448 : i32
      %add3A_450 = arith.addi %add3A_447, %mul3A_449 : i32
      %add3A_451 = vector.broadcast %add3A_450 : i32 to vector<16xi32>
      %add3A_452 = arith.addi %add3A_451, %iota3A : vector<16xi32>
      %broadcast_in_dim3A_453 = arith.constant 0 : i32
      %broadcast_in_dim3A_454 = vector.broadcast %broadcast_in_dim3A_453 : i32 to vector<16xi32>
      %add3A_455 = arith.constant 7 : i32
      %add3A_456 = vector.broadcast %add3A_455 : i32 to vector<16xi32>
      %add3A_457 = arith.addi %broadcast_in_dim3A_454, %add3A_456 : vector<16xi32>
      %lt3A_458 = arith.constant 0 : i32
      %lt3A_459 = vector.broadcast %lt3A_458 : i32 to vector<16xi32>
      %lt3A_460 = arith.cmpi slt, %add3A_457, %lt3A_459 : vector<16xi32>
      %add3A_461 = arith.constant 16 : i32
      %add3A_462 = vector.broadcast %add3A_461 : i32 to vector<16xi32>
      %add3A_463 = arith.addi %add3A_457, %add3A_462 : vector<16xi32>
      %select_n3A_464 = arith.select %lt3A_460, %add3A_463, %add3A_457 : vector<16xi1>, vector<16xi32>
      %broadcast_in_dim3A_465 = vector.shape_cast %select_n3A_464 : vector<16xi32> to vector<16x1xi32>
      %gather3A = vector.shape_cast %broadcast_in_dim3A_465 : vector<16x1xi32> to vector<16xi32>
      %gather3A_466 = tpu.dynamic_gather %select_n3A[%gather3A] in [0] : vector<16xi32>, vector<16xi32> -> vector<16xi32>
      %ge3A = arith.cmpi sge, %add3A_452, %gather3A_466 : vector<16xi32>
      %add3A_467 = arith.constant 8 : i32
      %add3A_468 = vector.broadcast %add3A_467 : i32 to vector<16xi32>
      %add3A_469 = arith.addi %broadcast_in_dim3A_454, %add3A_468 : vector<16xi32>
      %select_n3A_470 = arith.select %ge3A, %add3A_469, %broadcast_in_dim3A_454 : vector<16xi1>, vector<16xi32>
      %add3A_471 = arith.constant 3 : i32
      %add3A_472 = vector.broadcast %add3A_471 : i32 to vector<16xi32>
      %add3A_473 = arith.addi %select_n3A_470, %add3A_472 : vector<16xi32>
      %lt3A_474 = arith.constant 0 : i32
      %lt3A_475 = vector.broadcast %lt3A_474 : i32 to vector<16xi32>
      %lt3A_476 = arith.cmpi slt, %add3A_473, %lt3A_475 : vector<16xi32>
      %add3A_477 = arith.constant 16 : i32
      %add3A_478 = vector.broadcast %add3A_477 : i32 to vector<16xi32>
      %add3A_479 = arith.addi %add3A_473, %add3A_478 : vector<16xi32>
      %select_n3A_480 = arith.select %lt3A_476, %add3A_479, %add3A_473 : vector<16xi1>, vector<16xi32>
      %broadcast_in_dim3A_481 = vector.shape_cast %select_n3A_480 : vector<16xi32> to vector<16x1xi32>
      %gather3A_482 = vector.shape_cast %broadcast_in_dim3A_481 : vector<16x1xi32> to vector<16xi32>
      %gather3A_483 = tpu.dynamic_gather %select_n3A[%gather3A_482] in [0] : vector<16xi32>, vector<16xi32> -> vector<16xi32>
      %ge3A_484 = arith.cmpi sge, %add3A_452, %gather3A_483 : vector<16xi32>
      %add3A_485 = arith.constant 4 : i32
      %add3A_486 = vector.broadcast %add3A_485 : i32 to vector<16xi32>
      %add3A_487 = arith.addi %select_n3A_470, %add3A_486 : vector<16xi32>
      %select_n3A_488 = arith.select %ge3A_484, %add3A_487, %select_n3A_470 : vector<16xi1>, vector<16xi32>
      %add3A_489 = arith.constant 1 : i32
      %add3A_490 = vector.broadcast %add3A_489 : i32 to vector<16xi32>
      %add3A_491 = arith.addi %select_n3A_488, %add3A_490 : vector<16xi32>
      %lt3A_492 = arith.constant 0 : i32
      %lt3A_493 = vector.broadcast %lt3A_492 : i32 to vector<16xi32>
      %lt3A_494 = arith.cmpi slt, %add3A_491, %lt3A_493 : vector<16xi32>
      %add3A_495 = arith.constant 16 : i32
      %add3A_496 = vector.broadcast %add3A_495 : i32 to vector<16xi32>
      %add3A_497 = arith.addi %add3A_491, %add3A_496 : vector<16xi32>
      %select_n3A_498 = arith.select %lt3A_494, %add3A_497, %add3A_491 : vector<16xi1>, vector<16xi32>
      %broadcast_in_dim3A_499 = vector.shape_cast %select_n3A_498 : vector<16xi32> to vector<16x1xi32>
      %gather3A_500 = vector.shape_cast %broadcast_in_dim3A_499 : vector<16x1xi32> to vector<16xi32>
      %gather3A_501 = tpu.dynamic_gather %select_n3A[%gather3A_500] in [0] : vector<16xi32>, vector<16xi32> -> vector<16xi32>
      %ge3A_502 = arith.cmpi sge, %add3A_452, %gather3A_501 : vector<16xi32>
      %add3A_503 = arith.constant 2 : i32
      %add3A_504 = vector.broadcast %add3A_503 : i32 to vector<16xi32>
      %add3A_505 = arith.addi %select_n3A_488, %add3A_504 : vector<16xi32>
      %select_n3A_506 = arith.select %ge3A_502, %add3A_505, %select_n3A_488 : vector<16xi1>, vector<16xi32>
      %add3A_507 = arith.constant 0 : i32
      %add3A_508 = vector.broadcast %add3A_507 : i32 to vector<16xi32>
      %add3A_509 = arith.addi %select_n3A_506, %add3A_508 : vector<16xi32>
      %lt3A_510 = arith.constant 0 : i32
      %lt3A_511 = vector.broadcast %lt3A_510 : i32 to vector<16xi32>
      %lt3A_512 = arith.cmpi slt, %add3A_509, %lt3A_511 : vector<16xi32>
      %add3A_513 = arith.constant 16 : i32
      %add3A_514 = vector.broadcast %add3A_513 : i32 to vector<16xi32>
      %add3A_515 = arith.addi %add3A_509, %add3A_514 : vector<16xi32>
      %select_n3A_516 = arith.select %lt3A_512, %add3A_515, %add3A_509 : vector<16xi1>, vector<16xi32>
      %broadcast_in_dim3A_517 = vector.shape_cast %select_n3A_516 : vector<16xi32> to vector<16x1xi32>
      %gather3A_518 = vector.shape_cast %broadcast_in_dim3A_517 : vector<16x1xi32> to vector<16xi32>
      %gather3A_519 = tpu.dynamic_gather %select_n3A[%gather3A_518] in [0] : vector<16xi32>, vector<16xi32> -> vector<16xi32>
      %ge3A_520 = arith.cmpi sge, %add3A_452, %gather3A_519 : vector<16xi32>
      %add3A_521 = arith.constant 1 : i32
      %add3A_522 = vector.broadcast %add3A_521 : i32 to vector<16xi32>
      %add3A_523 = arith.addi %select_n3A_506, %add3A_522 : vector<16xi32>
      %select_n3A_524 = arith.select %ge3A_520, %add3A_523, %select_n3A_506 : vector<16xi1>, vector<16xi32>
      %mul3A_525 = arith.constant 128 : i32
      %mul3A_526 = vector.broadcast %mul3A_525 : i32 to vector<16xi32>
      %mul3A_527 = arith.muli %mul3A_526, %select_n3A_524 : vector<16xi32>
      %add3A_528 = arith.addi %add3A_452, %mul3A_527 : vector<16xi32>
      %mul3A_529 = arith.constant 16 : i32
      %mul3A_530 = arith.muli %scan3A_445, %mul3A_529 : i32
      %swap3A = arith.constant 3 : i32
      %swap3A_531 = arith.index_cast %swap3A : i32 to index
      %swap3A_532 = arith.index_cast %mul3A_530 : i32 to index
      %swap3A_533 = tpu.vector_load %arg15[%swap3A_531, %swap3A_532] {strides = array<i32>} : memref<8x128xi32, #tpu.memory_space<vmem>>, vector<16xi32>,
      tpu.vector_store %arg15[%swap3A_531, %swap3A_532], %add3A_528 {strides = array<i32>} : memref<8x128xi32, #tpu.memory_space<vmem>>, vector<16xi32>,
    }
    %scan3A_67 = arith.constant 8 : i32
    %dma_wait3A_68 = arith.constant 0 : i32
    %dma_wait3A_69 = arith.constant 0 : i32
    %dma_wait3A_70 = arith.constant 0 : i32
    %dma_wait3A_71 = tpu.memref_slice %arg17[%dma_wait3A_68, %dma_wait3A_69, %dma_wait3A_70] : memref<4x128x128xf32, #tpu.memory_space<vmem>> -> memref<1x128x128xf32, #tpu.memory_space<vmem>>
    %dma_wait3A_72 = tpu.memref_squeeze %dma_wait3A_71 : memref<1x128x128xf32, #tpu.memory_space<vmem>> -> memref<128x128xf32, #tpu.memory_space<vmem>>
    %dma_wait3A_73 = arith.constant 0 : i32
    %dma_wait3A_74 = tpu.memref_slice %arg12[%dma_wait3A_73] : memref<1024xi32, #tpu.memory_space<vmem>> -> memref<128xi32, #tpu.memory_space<vmem>>
    %dma_wait3A_75 = arith.constant 0 : i32
    %dma_wait3A_76 = arith.constant 0 : i32
    %dma_wait3A_77 = tpu.memref_slice %arg6[%dma_wait3A_75, %dma_wait3A_76] : memref<1000000x128xf32, #tpu.memory_space<hbm>> -> memref<1000000x128xf32, #tpu.memory_space<hbm>>
    tpu.wait_indirect_dma semaphore(%arg22 : memref<!tpu.dma_semaphore, #tpu.memory_space<semaphore_mem>>) src(%dma_wait3A_77 : memref<1000000x128xf32, #tpu.memory_space<hbm>>) dst(%dma_wait3A_72 : memref<128x128xf32, #tpu.memory_space<vmem>>)
    %dma_start3A_78 = arith.constant 0 : i32
    %dma_start3A_79 = arith.constant 0 : i32
    %dma_start3A_80 = arith.constant 0 : i32
    %dma_start3A_81 = arith.constant 0 : i32
    %dma_start3A_82 = tpu.memref_slice %arg17[%dma_start3A_78, %dma_start3A_80, %dma_start3A_81] : memref<4x128x128xf32, #tpu.memory_space<vmem>> -> memref<1x128x128xf32, #tpu.memory_space<vmem>>
    %dma_start3A_83 = tpu.memref_squeeze %dma_start3A_82 : memref<1x128x128xf32, #tpu.memory_space<vmem>> -> memref<128x128xf32, #tpu.memory_space<vmem>>
    %dma_start3A_84 = arith.constant 0 : i32
    %dma_start3A_85 = tpu.memref_slice %arg15[%dma_start3A_79, %dma_start3A_84] : memref<8x128xi32, #tpu.memory_space<vmem>> -> memref<1x128xi32, #tpu.memory_space<vmem>>
    %dma_start3A_86 = tpu.memref_squeeze %dma_start3A_85 : memref<1x128xi32, #tpu.memory_space<vmem>> -> memref<128xi32, #tpu.memory_space<vmem>>
    %dma_start3A_87 = arith.constant 0 : i32
    %dma_start3A_88 = arith.constant 0 : i32
    %dma_start3A_89 = tpu.memref_slice %arg7[%dma_start3A_87, %dma_start3A_88] : memref<34816x128xf32, #tpu.memory_space<hbm>> -> memref<34816x128xf32, #tpu.memory_space<hbm>>
    tpu.enqueue_indirect_dma source(%dma_start3A_83 : memref<128x128xf32, #tpu.memory_space<vmem>>) target(%dma_start3A_89 : memref<34816x128xf32, #tpu.memory_space<hbm>>) offsets(%dma_start3A_86 : memref<128xi32, #tpu.memory_space<vmem>>) semaphore(%arg23 : memref<!tpu.dma_semaphore, #tpu.memory_space<semaphore_mem>>)
    %dma_start3A_90 = arith.constant 2 : i32
    %dma_start3A_91 = arith.constant 0 : i32
    %dma_start3A_92 = arith.constant 0 : i32
    %dma_start3A_93 = tpu.memref_slice %arg17[%dma_start3A_90, %dma_start3A_91, %dma_start3A_92] : memref<4x128x128xf32, #tpu.memory_space<vmem>> -> memref<1x128x128xf32, #tpu.memory_space<vmem>>
    %dma_start3A_94 = tpu.memref_squeeze %dma_start3A_93 : memref<1x128x128xf32, #tpu.memory_space<vmem>> -> memref<128x128xf32, #tpu.memory_space<vmem>>
    %dma_start3A_95 = arith.constant 256 : i32
    %dma_start3A_96 = tpu.memref_slice %arg12[%dma_start3A_95] : memref<1024xi32, #tpu.memory_space<vmem>> -> memref<128xi32, #tpu.memory_space<vmem>>
    %dma_start3A_97 = arith.constant 0 : i32
    %dma_start3A_98 = arith.constant 0 : i32
    %dma_start3A_99 = tpu.memref_slice %arg6[%dma_start3A_97, %dma_start3A_98] : memref<1000000x128xf32, #tpu.memory_space<hbm>> -> memref<1000000x128xf32, #tpu.memory_space<hbm>>
    tpu.enqueue_indirect_dma source(%dma_start3A_99 : memref<1000000x128xf32, #tpu.memory_space<hbm>>) target(%dma_start3A_94 : memref<128x128xf32, #tpu.memory_space<vmem>>) offsets(%dma_start3A_96 : memref<128xi32, #tpu.memory_space<vmem>>) semaphore(%arg22 : memref<!tpu.dma_semaphore, #tpu.memory_space<semaphore_mem>>)
    %scan3A_100 = arith.constant 0 : i32
    %scan3A_101 = arith.constant 0 : i32
    %scan3A_102 = arith.constant 8 : i32
    %scan3A_103 = arith.addi %scan3A_101, %scan3A_102 : i32
    %scan3A_104 = arith.constant 1 : i32
    scf.for %scan3A_445 = %scan3A_101 to %scan3A_103 step %scan3A_104  : i32 {
      %add3A_446 = arith.constant 512 : i32
      %add3A_447 = arith.addi %mul3A_2, %add3A_446 : i32
      %mul3A_448 = arith.constant 16 : i32
      %mul3A_449 = arith.muli %scan3A_445, %mul3A_448 : i32
      %add3A_450 = arith.addi %add3A_447, %mul3A_449 : i32
      %add3A_451 = vector.broadcast %add3A_450 : i32 to vector<16xi32>
      %add3A_452 = arith.addi %add3A_451, %iota3A : vector<16xi32>
      %broadcast_in_dim3A_453 = arith.constant 0 : i32
      %broadcast_in_dim3A_454 = vector.broadcast %broadcast_in_dim3A_453 : i32 to vector<16xi32>
      %add3A_455 = arith.constant 7 : i32
      %add3A_456 = vector.broadcast %add3A_455 : i32 to vector<16xi32>
      %add3A_457 = arith.addi %broadcast_in_dim3A_454, %add3A_456 : vector<16xi32>
      %lt3A_458 = arith.constant 0 : i32
      %lt3A_459 = vector.broadcast %lt3A_458 : i32 to vector<16xi32>
      %lt3A_460 = arith.cmpi slt, %add3A_457, %lt3A_459 : vector<16xi32>
      %add3A_461 = arith.constant 16 : i32
      %add3A_462 = vector.broadcast %add3A_461 : i32 to vector<16xi32>
      %add3A_463 = arith.addi %add3A_457, %add3A_462 : vector<16xi32>
      %select_n3A_464 = arith.select %lt3A_460, %add3A_463, %add3A_457 : vector<16xi1>, vector<16xi32>
      %broadcast_in_dim3A_465 = vector.shape_cast %select_n3A_464 : vector<16xi32> to vector<16x1xi32>
      %gather3A = vector.shape_cast %broadcast_in_dim3A_465 : vector<16x1xi32> to vector<16xi32>
      %gather3A_466 = tpu.dynamic_gather %select_n3A[%gather3A] in [0] : vector<16xi32>, vector<16xi32> -> vector<16xi32>
      %ge3A = arith.cmpi sge, %add3A_452, %gather3A_466 : vector<16xi32>
      %add3A_467 = arith.constant 8 : i32
      %add3A_468 = vector.broadcast %add3A_467 : i32 to vector<16xi32>
      %add3A_469 = arith.addi %broadcast_in_dim3A_454, %add3A_468 : vector<16xi32>
      %select_n3A_470 = arith.select %ge3A, %add3A_469, %broadcast_in_dim3A_454 : vector<16xi1>, vector<16xi32>
      %add3A_471 = arith.constant 3 : i32
      %add3A_472 = vector.broadcast %add3A_471 : i32 to vector<16xi32>
      %add3A_473 = arith.addi %select_n3A_470, %add3A_472 : vector<16xi32>
      %lt3A_474 = arith.constant 0 : i32
      %lt3A_475 = vector.broadcast %lt3A_474 : i32 to vector<16xi32>
      %lt3A_476 = arith.cmpi slt, %add3A_473, %lt3A_475 : vector<16xi32>
      %add3A_477 = arith.constant 16 : i32
      %add3A_478 = vector.broadcast %add3A_477 : i32 to vector<16xi32>
      %add3A_479 = arith.addi %add3A_473, %add3A_478 : vector<16xi32>
      %select_n3A_480 = arith.select %lt3A_476, %add3A_479, %add3A_473 : vector<16xi1>, vector<16xi32>
      %broadcast_in_dim3A_481 = vector.shape_cast %select_n3A_480 : vector<16xi32> to vector<16x1xi32>
      %gather3A_482 = vector.shape_cast %broadcast_in_dim3A_481 : vector<16x1xi32> to vector<16xi32>
      %gather3A_483 = tpu.dynamic_gather %select_n3A[%gather3A_482] in [0] : vector<16xi32>, vector<16xi32> -> vector<16xi32>
      %ge3A_484 = arith.cmpi sge, %add3A_452, %gather3A_483 : vector<16xi32>
      %add3A_485 = arith.constant 4 : i32
      %add3A_486 = vector.broadcast %add3A_485 : i32 to vector<16xi32>
      %add3A_487 = arith.addi %select_n3A_470, %add3A_486 : vector<16xi32>
      %select_n3A_488 = arith.select %ge3A_484, %add3A_487, %select_n3A_470 : vector<16xi1>, vector<16xi32>
      %add3A_489 = arith.constant 1 : i32
      %add3A_490 = vector.broadcast %add3A_489 : i32 to vector<16xi32>
      %add3A_491 = arith.addi %select_n3A_488, %add3A_490 : vector<16xi32>
      %lt3A_492 = arith.constant 0 : i32
      %lt3A_493 = vector.broadcast %lt3A_492 : i32 to vector<16xi32>
      %lt3A_494 = arith.cmpi slt, %add3A_491, %lt3A_493 : vector<16xi32>
      %add3A_495 = arith.constant 16 : i32
      %add3A_496 = vector.broadcast %add3A_495 : i32 to vector<16xi32>
      %add3A_497 = arith.addi %add3A_491, %add3A_496 : vector<16xi32>
      %select_n3A_498 = arith.select %lt3A_494, %add3A_497, %add3A_491 : vector<16xi1>, vector<16xi32>
      %broadcast_in_dim3A_499 = vector.shape_cast %select_n3A_498 : vector<16xi32> to vector<16x1xi32>
      %gather3A_500 = vector.shape_cast %broadcast_in_dim3A_499 : vector<16x1xi32> to vector<16xi32>
      %gather3A_501 = tpu.dynamic_gather %select_n3A[%gather3A_500] in [0] : vector<16xi32>, vector<16xi32> -> vector<16xi32>
      %ge3A_502 = arith.cmpi sge, %add3A_452, %gather3A_501 : vector<16xi32>
      %add3A_503 = arith.constant 2 : i32
      %add3A_504 = vector.broadcast %add3A_503 : i32 to vector<16xi32>
      %add3A_505 = arith.addi %select_n3A_488, %add3A_504 : vector<16xi32>
      %select_n3A_506 = arith.select %ge3A_502, %add3A_505, %select_n3A_488 : vector<16xi1>, vector<16xi32>
      %add3A_507 = arith.constant 0 : i32
      %add3A_508 = vector.broadcast %add3A_507 : i32 to vector<16xi32>
      %add3A_509 = arith.addi %select_n3A_506, %add3A_508 : vector<16xi32>
      %lt3A_510 = arith.constant 0 : i32
      %lt3A_511 = vector.broadcast %lt3A_510 : i32 to vector<16xi32>
      %lt3A_512 = arith.cmpi slt, %add3A_509, %lt3A_511 : vector<16xi32>
      %add3A_513 = arith.constant 16 : i32
      %add3A_514 = vector.broadcast %add3A_513 : i32 to vector<16xi32>
      %add3A_515 = arith.addi %add3A_509, %add3A_514 : vector<16xi32>
      %select_n3A_516 = arith.select %lt3A_512, %add3A_515, %add3A_509 : vector<16xi1>, vector<16xi32>
      %broadcast_in_dim3A_517 = vector.shape_cast %select_n3A_516 : vector<16xi32> to vector<16x1xi32>
      %gather3A_518 = vector.shape_cast %broadcast_in_dim3A_517 : vector<16x1xi32> to vector<16xi32>
      %gather3A_519 = tpu.dynamic_gather %select_n3A[%gather3A_518] in [0] : vector<16xi32>, vector<16xi32> -> vector<16xi32>
      %ge3A_520 = arith.cmpi sge, %add3A_452, %gather3A_519 : vector<16xi32>
      %add3A_521 = arith.constant 1 : i32
      %add3A_522 = vector.broadcast %add3A_521 : i32 to vector<16xi32>
      %add3A_523 = arith.addi %select_n3A_506, %add3A_522 : vector<16xi32>
      %select_n3A_524 = arith.select %ge3A_520, %add3A_523, %select_n3A_506 : vector<16xi1>, vector<16xi32>
      %mul3A_525 = arith.constant 128 : i32
      %mul3A_526 = vector.broadcast %mul3A_525 : i32 to vector<16xi32>
      %mul3A_527 = arith.muli %mul3A_526, %select_n3A_524 : vector<16xi32>
      %add3A_528 = arith.addi %add3A_452, %mul3A_527 : vector<16xi32>
      %mul3A_529 = arith.constant 16 : i32
      %mul3A_530 = arith.muli %scan3A_445, %mul3A_529 : i32
      %swap3A = arith.constant 4 : i32
      %swap3A_531 = arith.index_cast %swap3A : i32 to index
      %swap3A_532 = arith.index_cast %mul3A_530 : i32 to index
      %swap3A_533 = tpu.vector_load %arg15[%swap3A_531, %swap3A_532] {strides = array<i32>} : memref<8x128xi32, #tpu.memory_space<vmem>>, vector<16xi32>,
      tpu.vector_store %arg15[%swap3A_531, %swap3A_532], %add3A_528 {strides = array<i32>} : memref<8x128xi32, #tpu.memory_space<vmem>>, vector<16xi32>,
    }
    %scan3A_105 = arith.constant 8 : i32
    %dma_wait3A_106 = arith.constant 1 : i32
    %dma_wait3A_107 = arith.constant 0 : i32
    %dma_wait3A_108 = arith.constant 0 : i32
    %dma_wait3A_109 = tpu.memref_slice %arg17[%dma_wait3A_106, %dma_wait3A_107, %dma_wait3A_108] : memref<4x128x128xf32, #tpu.memory_space<vmem>> -> memref<1x128x128xf32, #tpu.memory_space<vmem>>
    %dma_wait3A_110 = tpu.memref_squeeze %dma_wait3A_109 : memref<1x128x128xf32, #tpu.memory_space<vmem>> -> memref<128x128xf32, #tpu.memory_space<vmem>>
    %dma_wait3A_111 = arith.constant 128 : i32
    %dma_wait3A_112 = tpu.memref_slice %arg12[%dma_wait3A_111] : memref<1024xi32, #tpu.memory_space<vmem>> -> memref<128xi32, #tpu.memory_space<vmem>>
    %dma_wait3A_113 = arith.constant 0 : i32
    %dma_wait3A_114 = arith.constant 0 : i32
    %dma_wait3A_115 = tpu.memref_slice %arg6[%dma_wait3A_113, %dma_wait3A_114] : memref<1000000x128xf32, #tpu.memory_space<hbm>> -> memref<1000000x128xf32, #tpu.memory_space<hbm>>
    tpu.wait_indirect_dma semaphore(%arg22 : memref<!tpu.dma_semaphore, #tpu.memory_space<semaphore_mem>>) src(%dma_wait3A_115 : memref<1000000x128xf32, #tpu.memory_space<hbm>>) dst(%dma_wait3A_110 : memref<128x128xf32, #tpu.memory_space<vmem>>)
    %dma_start3A_116 = arith.constant 1 : i32
    %dma_start3A_117 = arith.constant 1 : i32
    %dma_start3A_118 = arith.constant 0 : i32
    %dma_start3A_119 = arith.constant 0 : i32
    %dma_start3A_120 = tpu.memref_slice %arg17[%dma_start3A_116, %dma_start3A_118, %dma_start3A_119] : memref<4x128x128xf32, #tpu.memory_space<vmem>> -> memref<1x128x128xf32, #tpu.memory_space<vmem>>
    %dma_start3A_121 = tpu.memref_squeeze %dma_start3A_120 : memref<1x128x128xf32, #tpu.memory_space<vmem>> -> memref<128x128xf32, #tpu.memory_space<vmem>>
    %dma_start3A_122 = arith.constant 0 : i32
    %dma_start3A_123 = tpu.memref_slice %arg15[%dma_start3A_117, %dma_start3A_122] : memref<8x128xi32, #tpu.memory_space<vmem>> -> memref<1x128xi32, #tpu.memory_space<vmem>>
    %dma_start3A_124 = tpu.memref_squeeze %dma_start3A_123 : memref<1x128xi32, #tpu.memory_space<vmem>> -> memref<128xi32, #tpu.memory_space<vmem>>
    %dma_start3A_125 = arith.constant 0 : i32
    %dma_start3A_126 = arith.constant 0 : i32
    %dma_start3A_127 = tpu.memref_slice %arg7[%dma_start3A_125, %dma_start3A_126] : memref<34816x128xf32, #tpu.memory_space<hbm>> -> memref<34816x128xf32, #tpu.memory_space<hbm>>
    tpu.enqueue_indirect_dma source(%dma_start3A_121 : memref<128x128xf32, #tpu.memory_space<vmem>>) target(%dma_start3A_127 : memref<34816x128xf32, #tpu.memory_space<hbm>>) offsets(%dma_start3A_124 : memref<128xi32, #tpu.memory_space<vmem>>) semaphore(%arg23 : memref<!tpu.dma_semaphore, #tpu.memory_space<semaphore_mem>>)
    %dma_start3A_128 = arith.constant 3 : i32
    %dma_start3A_129 = arith.constant 0 : i32
    %dma_start3A_130 = arith.constant 0 : i32
    %dma_start3A_131 = tpu.memref_slice %arg17[%dma_start3A_128, %dma_start3A_129, %dma_start3A_130] : memref<4x128x128xf32, #tpu.memory_space<vmem>> -> memref<1x128x128xf32, #tpu.memory_space<vmem>>
    %dma_start3A_132 = tpu.memref_squeeze %dma_start3A_131 : memref<1x128x128xf32, #tpu.memory_space<vmem>> -> memref<128x128xf32, #tpu.memory_space<vmem>>
    %dma_start3A_133 = arith.constant 384 : i32
    %dma_start3A_134 = tpu.memref_slice %arg12[%dma_start3A_133] : memref<1024xi32, #tpu.memory_space<vmem>> -> memref<128xi32, #tpu.memory_space<vmem>>
    %dma_start3A_135 = arith.constant 0 : i32
    %dma_start3A_136 = arith.constant 0 : i32
    %dma_start3A_137 = tpu.memref_slice %arg6[%dma_start3A_135, %dma_start3A_136] : memref<1000000x128xf32, #tpu.memory_space<hbm>> -> memref<1000000x128xf32, #tpu.memory_space<hbm>>
    tpu.enqueue_indirect_dma source(%dma_start3A_137 : memref<1000000x128xf32, #tpu.memory_space<hbm>>) target(%dma_start3A_132 : memref<128x128xf32, #tpu.memory_space<vmem>>) offsets(%dma_start3A_134 : memref<128xi32, #tpu.memory_space<vmem>>) semaphore(%arg22 : memref<!tpu.dma_semaphore, #tpu.memory_space<semaphore_mem>>)
    %scan3A_138 = arith.constant 0 : i32
    %scan3A_139 = arith.constant 0 : i32
    %scan3A_140 = arith.constant 8 : i32
    %scan3A_141 = arith.addi %scan3A_139, %scan3A_140 : i32
    %scan3A_142 = arith.constant 1 : i32
    scf.for %scan3A_445 = %scan3A_139 to %scan3A_141 step %scan3A_142  : i32 {
      %add3A_446 = arith.constant 640 : i32
      %add3A_447 = arith.addi %mul3A_2, %add3A_446 : i32
      %mul3A_448 = arith.constant 16 : i32
      %mul3A_449 = arith.muli %scan3A_445, %mul3A_448 : i32
      %add3A_450 = arith.addi %add3A_447, %mul3A_449 : i32
      %add3A_451 = vector.broadcast %add3A_450 : i32 to vector<16xi32>
      %add3A_452 = arith.addi %add3A_451, %iota3A : vector<16xi32>
      %broadcast_in_dim3A_453 = arith.constant 0 : i32
      %broadcast_in_dim3A_454 = vector.broadcast %broadcast_in_dim3A_453 : i32 to vector<16xi32>
      %add3A_455 = arith.constant 7 : i32
      %add3A_456 = vector.broadcast %add3A_455 : i32 to vector<16xi32>
      %add3A_457 = arith.addi %broadcast_in_dim3A_454, %add3A_456 : vector<16xi32>
      %lt3A_458 = arith.constant 0 : i32
      %lt3A_459 = vector.broadcast %lt3A_458 : i32 to vector<16xi32>
      %lt3A_460 = arith.cmpi slt, %add3A_457, %lt3A_459 : vector<16xi32>
      %add3A_461 = arith.constant 16 : i32
      %add3A_462 = vector.broadcast %add3A_461 : i32 to vector<16xi32>
      %add3A_463 = arith.addi %add3A_457, %add3A_462 : vector<16xi32>
      %select_n3A_464 = arith.select %lt3A_460, %add3A_463, %add3A_457 : vector<16xi1>, vector<16xi32>
      %broadcast_in_dim3A_465 = vector.shape_cast %select_n3A_464 : vector<16xi32> to vector<16x1xi32>
      %gather3A = vector.shape_cast %broadcast_in_dim3A_465 : vector<16x1xi32> to vector<16xi32>
      %gather3A_466 = tpu.dynamic_gather %select_n3A[%gather3A] in [0] : vector<16xi32>, vector<16xi32> -> vector<16xi32>
      %ge3A = arith.cmpi sge, %add3A_452, %gather3A_466 : vector<16xi32>
      %add3A_467 = arith.constant 8 : i32
      %add3A_468 = vector.broadcast %add3A_467 : i32 to vector<16xi32>
      %add3A_469 = arith.addi %broadcast_in_dim3A_454, %add3A_468 : vector<16xi32>
      %select_n3A_470 = arith.select %ge3A, %add3A_469, %broadcast_in_dim3A_454 : vector<16xi1>, vector<16xi32>
      %add3A_471 = arith.constant 3 : i32
      %add3A_472 = vector.broadcast %add3A_471 : i32 to vector<16xi32>
      %add3A_473 = arith.addi %select_n3A_470, %add3A_472 : vector<16xi32>
      %lt3A_474 = arith.constant 0 : i32
      %lt3A_475 = vector.broadcast %lt3A_474 : i32 to vector<16xi32>
      %lt3A_476 = arith.cmpi slt, %add3A_473, %lt3A_475 : vector<16xi32>
      %add3A_477 = arith.constant 16 : i32
      %add3A_478 = vector.broadcast %add3A_477 : i32 to vector<16xi32>
      %add3A_479 = arith.addi %add3A_473, %add3A_478 : vector<16xi32>
      %select_n3A_480 = arith.select %lt3A_476, %add3A_479, %add3A_473 : vector<16xi1>, vector<16xi32>
      %broadcast_in_dim3A_481 = vector.shape_cast %select_n3A_480 : vector<16xi32> to vector<16x1xi32>
      %gather3A_482 = vector.shape_cast %broadcast_in_dim3A_481 : vector<16x1xi32> to vector<16xi32>
      %gather3A_483 = tpu.dynamic_gather %select_n3A[%gather3A_482] in [0] : vector<16xi32>, vector<16xi32> -> vector<16xi32>
      %ge3A_484 = arith.cmpi sge, %add3A_452, %gather3A_483 : vector<16xi32>
      %add3A_485 = arith.constant 4 : i32
      %add3A_486 = vector.broadcast %add3A_485 : i32 to vector<16xi32>
      %add3A_487 = arith.addi %select_n3A_470, %add3A_486 : vector<16xi32>
      %select_n3A_488 = arith.select %ge3A_484, %add3A_487, %select_n3A_470 : vector<16xi1>, vector<16xi32>
      %add3A_489 = arith.constant 1 : i32
      %add3A_490 = vector.broadcast %add3A_489 : i32 to vector<16xi32>
      %add3A_491 = arith.addi %select_n3A_488, %add3A_490 : vector<16xi32>
      %lt3A_492 = arith.constant 0 : i32
      %lt3A_493 = vector.broadcast %lt3A_492 : i32 to vector<16xi32>
      %lt3A_494 = arith.cmpi slt, %add3A_491, %lt3A_493 : vector<16xi32>
      %add3A_495 = arith.constant 16 : i32
      %add3A_496 = vector.broadcast %add3A_495 : i32 to vector<16xi32>
      %add3A_497 = arith.addi %add3A_491, %add3A_496 : vector<16xi32>
      %select_n3A_498 = arith.select %lt3A_494, %add3A_497, %add3A_491 : vector<16xi1>, vector<16xi32>
      %broadcast_in_dim3A_499 = vector.shape_cast %select_n3A_498 : vector<16xi32> to vector<16x1xi32>
      %gather3A_500 = vector.shape_cast %broadcast_in_dim3A_499 : vector<16x1xi32> to vector<16xi32>
      %gather3A_501 = tpu.dynamic_gather %select_n3A[%gather3A_500] in [0] : vector<16xi32>, vector<16xi32> -> vector<16xi32>
      %ge3A_502 = arith.cmpi sge, %add3A_452, %gather3A_501 : vector<16xi32>
      %add3A_503 = arith.constant 2 : i32
      %add3A_504 = vector.broadcast %add3A_503 : i32 to vector<16xi32>
      %add3A_505 = arith.addi %select_n3A_488, %add3A_504 : vector<16xi32>
      %select_n3A_506 = arith.select %ge3A_502, %add3A_505, %select_n3A_488 : vector<16xi1>, vector<16xi32>
      %add3A_507 = arith.constant 0 : i32
      %add3A_508 = vector.broadcast %add3A_507 : i32 to vector<16xi32>
      %add3A_509 = arith.addi %select_n3A_506, %add3A_508 : vector<16xi32>
      %lt3A_510 = arith.constant 0 : i32
      %lt3A_511 = vector.broadcast %lt3A_510 : i32 to vector<16xi32>
      %lt3A_512 = arith.cmpi slt, %add3A_509, %lt3A_511 : vector<16xi32>
      %add3A_513 = arith.constant 16 : i32
      %add3A_514 = vector.broadcast %add3A_513 : i32 to vector<16xi32>
      %add3A_515 = arith.addi %add3A_509, %add3A_514 : vector<16xi32>
      %select_n3A_516 = arith.select %lt3A_512, %add3A_515, %add3A_509 : vector<16xi1>, vector<16xi32>
      %broadcast_in_dim3A_517 = vector.shape_cast %select_n3A_516 : vector<16xi32> to vector<16x1xi32>
      %gather3A_518 = vector.shape_cast %broadcast_in_dim3A_517 : vector<16x1xi32> to vector<16xi32>
      %gather3A_519 = tpu.dynamic_gather %select_n3A[%gather3A_518] in [0] : vector<16xi32>, vector<16xi32> -> vector<16xi32>
      %ge3A_520 = arith.cmpi sge, %add3A_452, %gather3A_519 : vector<16xi32>
      %add3A_521 = arith.constant 1 : i32
      %add3A_522 = vector.broadcast %add3A_521 : i32 to vector<16xi32>
      %add3A_523 = arith.addi %select_n3A_506, %add3A_522 : vector<16xi32>
      %select_n3A_524 = arith.select %ge3A_520, %add3A_523, %select_n3A_506 : vector<16xi1>, vector<16xi32>
      %mul3A_525 = arith.constant 128 : i32
      %mul3A_526 = vector.broadcast %mul3A_525 : i32 to vector<16xi32>
      %mul3A_527 = arith.muli %mul3A_526, %select_n3A_524 : vector<16xi32>
      %add3A_528 = arith.addi %add3A_452, %mul3A_527 : vector<16xi32>
      %mul3A_529 = arith.constant 16 : i32
      %mul3A_530 = arith.muli %scan3A_445, %mul3A_529 : i32
      %swap3A = arith.constant 5 : i32
      %swap3A_531 = arith.index_cast %swap3A : i32 to index
      %swap3A_532 = arith.index_cast %mul3A_530 : i32 to index
      %swap3A_533 = tpu.vector_load %arg15[%swap3A_531, %swap3A_532] {strides = array<i32>} : memref<8x128xi32, #tpu.memory_space<vmem>>, vector<16xi32>,
      tpu.vector_store %arg15[%swap3A_531, %swap3A_532], %add3A_528 {strides = array<i32>} : memref<8x128xi32, #tpu.memory_space<vmem>>, vector<16xi32>,
    }
    %scan3A_143 = arith.constant 8 : i32
    %dma_wait3A_144 = arith.constant 2 : i32
    %dma_wait3A_145 = arith.constant 0 : i32
    %dma_wait3A_146 = arith.constant 0 : i32
    %dma_wait3A_147 = tpu.memref_slice %arg17[%dma_wait3A_144, %dma_wait3A_145, %dma_wait3A_146] : memref<4x128x128xf32, #tpu.memory_space<vmem>> -> memref<1x128x128xf32, #tpu.memory_space<vmem>>
    %dma_wait3A_148 = tpu.memref_squeeze %dma_wait3A_147 : memref<1x128x128xf32, #tpu.memory_space<vmem>> -> memref<128x128xf32, #tpu.memory_space<vmem>>
    %dma_wait3A_149 = arith.constant 256 : i32
    %dma_wait3A_150 = tpu.memref_slice %arg12[%dma_wait3A_149] : memref<1024xi32, #tpu.memory_space<vmem>> -> memref<128xi32, #tpu.memory_space<vmem>>
    %dma_wait3A_151 = arith.constant 0 : i32
    %dma_wait3A_152 = arith.constant 0 : i32
    %dma_wait3A_153 = tpu.memref_slice %arg6[%dma_wait3A_151, %dma_wait3A_152] : memref<1000000x128xf32, #tpu.memory_space<hbm>> -> memref<1000000x128xf32, #tpu.memory_space<hbm>>
    tpu.wait_indirect_dma semaphore(%arg22 : memref<!tpu.dma_semaphore, #tpu.memory_space<semaphore_mem>>) src(%dma_wait3A_153 : memref<1000000x128xf32, #tpu.memory_space<hbm>>) dst(%dma_wait3A_148 : memref<128x128xf32, #tpu.memory_space<vmem>>)
    %dma_start3A_154 = arith.constant 2 : i32
    %dma_start3A_155 = arith.constant 2 : i32
    %dma_start3A_156 = arith.constant 0 : i32
    %dma_start3A_157 = arith.constant 0 : i32
    %dma_start3A_158 = tpu.memref_slice %arg17[%dma_start3A_154, %dma_start3A_156, %dma_start3A_157] : memref<4x128x128xf32, #tpu.memory_space<vmem>> -> memref<1x128x128xf32, #tpu.memory_space<vmem>>
    %dma_start3A_159 = tpu.memref_squeeze %dma_start3A_158 : memref<1x128x128xf32, #tpu.memory_space<vmem>> -> memref<128x128xf32, #tpu.memory_space<vmem>>
    %dma_start3A_160 = arith.constant 0 : i32
    %dma_start3A_161 = tpu.memref_slice %arg15[%dma_start3A_155, %dma_start3A_160] : memref<8x128xi32, #tpu.memory_space<vmem>> -> memref<1x128xi32, #tpu.memory_space<vmem>>
    %dma_start3A_162 = tpu.memref_squeeze %dma_start3A_161 : memref<1x128xi32, #tpu.memory_space<vmem>> -> memref<128xi32, #tpu.memory_space<vmem>>
    %dma_start3A_163 = arith.constant 0 : i32
    %dma_start3A_164 = arith.constant 0 : i32
    %dma_start3A_165 = tpu.memref_slice %arg7[%dma_start3A_163, %dma_start3A_164] : memref<34816x128xf32, #tpu.memory_space<hbm>> -> memref<34816x128xf32, #tpu.memory_space<hbm>>
    tpu.enqueue_indirect_dma source(%dma_start3A_159 : memref<128x128xf32, #tpu.memory_space<vmem>>) target(%dma_start3A_165 : memref<34816x128xf32, #tpu.memory_space<hbm>>) offsets(%dma_start3A_162 : memref<128xi32, #tpu.memory_space<vmem>>) semaphore(%arg23 : memref<!tpu.dma_semaphore, #tpu.memory_space<semaphore_mem>>)
    %dma_wait3A_166 = arith.constant 0 : i32
    %dma_wait3A_167 = arith.constant 0 : i32
    %dma_wait3A_168 = arith.constant 0 : i32
    %dma_wait3A_169 = arith.constant 0 : i32
    %dma_wait3A_170 = tpu.memref_slice %arg17[%dma_wait3A_166, %dma_wait3A_168, %dma_wait3A_169] : memref<4x128x128xf32, #tpu.memory_space<vmem>> -> memref<1x128x128xf32, #tpu.memory_space<vmem>>
    %dma_wait3A_171 = tpu.memref_squeeze %dma_wait3A_170 : memref<1x128x128xf32, #tpu.memory_space<vmem>> -> memref<128x128xf32, #tpu.memory_space<vmem>>
    %dma_wait3A_172 = arith.constant 0 : i32
    %dma_wait3A_173 = tpu.memref_slice %arg15[%dma_wait3A_167, %dma_wait3A_172] : memref<8x128xi32, #tpu.memory_space<vmem>> -> memref<1x128xi32, #tpu.memory_space<vmem>>
    %dma_wait3A_174 = tpu.memref_squeeze %dma_wait3A_173 : memref<1x128xi32, #tpu.memory_space<vmem>> -> memref<128xi32, #tpu.memory_space<vmem>>
    %dma_wait3A_175 = arith.constant 0 : i32
    %dma_wait3A_176 = arith.constant 0 : i32
    %dma_wait3A_177 = tpu.memref_slice %arg7[%dma_wait3A_175, %dma_wait3A_176] : memref<34816x128xf32, #tpu.memory_space<hbm>> -> memref<34816x128xf32, #tpu.memory_space<hbm>>
    tpu.wait_indirect_dma semaphore(%arg23 : memref<!tpu.dma_semaphore, #tpu.memory_space<semaphore_mem>>) src(%dma_wait3A_171 : memref<128x128xf32, #tpu.memory_space<vmem>>) dst(%dma_wait3A_177 : memref<34816x128xf32, #tpu.memory_space<hbm>>)
    %dma_start3A_178 = arith.constant 0 : i32
    %dma_start3A_179 = arith.constant 0 : i32
    %dma_start3A_180 = arith.constant 0 : i32
    %dma_start3A_181 = tpu.memref_slice %arg17[%dma_start3A_178, %dma_start3A_179, %dma_start3A_180] : memref<4x128x128xf32, #tpu.memory_space<vmem>> -> memref<1x128x128xf32, #tpu.memory_space<vmem>>
    %dma_start3A_182 = tpu.memref_squeeze %dma_start3A_181 : memref<1x128x128xf32, #tpu.memory_space<vmem>> -> memref<128x128xf32, #tpu.memory_space<vmem>>
    %dma_start3A_183 = arith.constant 512 : i32
    %dma_start3A_184 = tpu.memref_slice %arg12[%dma_start3A_183] : memref<1024xi32, #tpu.memory_space<vmem>> -> memref<128xi32, #tpu.memory_space<vmem>>
    %dma_start3A_185 = arith.constant 0 : i32
    %dma_start3A_186 = arith.constant 0 : i32
    %dma_start3A_187 = tpu.memref_slice %arg6[%dma_start3A_185, %dma_start3A_186] : memref<1000000x128xf32, #tpu.memory_space<hbm>> -> memref<1000000x128xf32, #tpu.memory_space<hbm>>
    tpu.enqueue_indirect_dma source(%dma_start3A_187 : memref<1000000x128xf32, #tpu.memory_space<hbm>>) target(%dma_start3A_182 : memref<128x128xf32, #tpu.memory_space<vmem>>) offsets(%dma_start3A_184 : memref<128xi32, #tpu.memory_space<vmem>>) semaphore(%arg22 : memref<!tpu.dma_semaphore, #tpu.memory_space<semaphore_mem>>)
    %scan3A_188 = arith.constant 0 : i32
    %scan3A_189 = arith.constant 0 : i32
    %scan3A_190 = arith.constant 8 : i32
    %scan3A_191 = arith.addi %scan3A_189, %scan3A_190 : i32
    %scan3A_192 = arith.constant 1 : i32
    scf.for %scan3A_445 = %scan3A_189 to %scan3A_191 step %scan3A_192  : i32 {
      %add3A_446 = arith.constant 768 : i32
      %add3A_447 = arith.addi %mul3A_2, %add3A_446 : i32
      %mul3A_448 = arith.constant 16 : i32
      %mul3A_449 = arith.muli %scan3A_445, %mul3A_448 : i32
      %add3A_450 = arith.addi %add3A_447, %mul3A_449 : i32
      %add3A_451 = vector.broadcast %add3A_450 : i32 to vector<16xi32>
      %add3A_452 = arith.addi %add3A_451, %iota3A : vector<16xi32>
      %broadcast_in_dim3A_453 = arith.constant 0 : i32
      %broadcast_in_dim3A_454 = vector.broadcast %broadcast_in_dim3A_453 : i32 to vector<16xi32>
      %add3A_455 = arith.constant 7 : i32
      %add3A_456 = vector.broadcast %add3A_455 : i32 to vector<16xi32>
      %add3A_457 = arith.addi %broadcast_in_dim3A_454, %add3A_456 : vector<16xi32>
      %lt3A_458 = arith.constant 0 : i32
      %lt3A_459 = vector.broadcast %lt3A_458 : i32 to vector<16xi32>
      %lt3A_460 = arith.cmpi slt, %add3A_457, %lt3A_459 : vector<16xi32>
      %add3A_461 = arith.constant 16 : i32
      %add3A_462 = vector.broadcast %add3A_461 : i32 to vector<16xi32>
      %add3A_463 = arith.addi %add3A_457, %add3A_462 : vector<16xi32>
      %select_n3A_464 = arith.select %lt3A_460, %add3A_463, %add3A_457 : vector<16xi1>, vector<16xi32>
      %broadcast_in_dim3A_465 = vector.shape_cast %select_n3A_464 : vector<16xi32> to vector<16x1xi32>
      %gather3A = vector.shape_cast %broadcast_in_dim3A_465 : vector<16x1xi32> to vector<16xi32>
      %gather3A_466 = tpu.dynamic_gather %select_n3A[%gather3A] in [0] : vector<16xi32>, vector<16xi32> -> vector<16xi32>
      %ge3A = arith.cmpi sge, %add3A_452, %gather3A_466 : vector<16xi32>
      %add3A_467 = arith.constant 8 : i32
      %add3A_468 = vector.broadcast %add3A_467 : i32 to vector<16xi32>
      %add3A_469 = arith.addi %broadcast_in_dim3A_454, %add3A_468 : vector<16xi32>
      %select_n3A_470 = arith.select %ge3A, %add3A_469, %broadcast_in_dim3A_454 : vector<16xi1>, vector<16xi32>
      %add3A_471 = arith.constant 3 : i32
      %add3A_472 = vector.broadcast %add3A_471 : i32 to vector<16xi32>
      %add3A_473 = arith.addi %select_n3A_470, %add3A_472 : vector<16xi32>
      %lt3A_474 = arith.constant 0 : i32
      %lt3A_475 = vector.broadcast %lt3A_474 : i32 to vector<16xi32>
      %lt3A_476 = arith.cmpi slt, %add3A_473, %lt3A_475 : vector<16xi32>
      %add3A_477 = arith.constant 16 : i32
      %add3A_478 = vector.broadcast %add3A_477 : i32 to vector<16xi32>
      %add3A_479 = arith.addi %add3A_473, %add3A_478 : vector<16xi32>
      %select_n3A_480 = arith.select %lt3A_476, %add3A_479, %add3A_473 : vector<16xi1>, vector<16xi32>
      %broadcast_in_dim3A_481 = vector.shape_cast %select_n3A_480 : vector<16xi32> to vector<16x1xi32>
      %gather3A_482 = vector.shape_cast %broadcast_in_dim3A_481 : vector<16x1xi32> to vector<16xi32>
      %gather3A_483 = tpu.dynamic_gather %select_n3A[%gather3A_482] in [0] : vector<16xi32>, vector<16xi32> -> vector<16xi32>
      %ge3A_484 = arith.cmpi sge, %add3A_452, %gather3A_483 : vector<16xi32>
      %add3A_485 = arith.constant 4 : i32
      %add3A_486 = vector.broadcast %add3A_485 : i32 to vector<16xi32>
      %add3A_487 = arith.addi %select_n3A_470, %add3A_486 : vector<16xi32>
      %select_n3A_488 = arith.select %ge3A_484, %add3A_487, %select_n3A_470 : vector<16xi1>, vector<16xi32>
      %add3A_489 = arith.constant 1 : i32
      %add3A_490 = vector.broadcast %add3A_489 : i32 to vector<16xi32>
      %add3A_491 = arith.addi %select_n3A_488, %add3A_490 : vector<16xi32>
      %lt3A_492 = arith.constant 0 : i32
      %lt3A_493 = vector.broadcast %lt3A_492 : i32 to vector<16xi32>
      %lt3A_494 = arith.cmpi slt, %add3A_491, %lt3A_493 : vector<16xi32>
      %add3A_495 = arith.constant 16 : i32
      %add3A_496 = vector.broadcast %add3A_495 : i32 to vector<16xi32>
      %add3A_497 = arith.addi %add3A_491, %add3A_496 : vector<16xi32>
      %select_n3A_498 = arith.select %lt3A_494, %add3A_497, %add3A_491 : vector<16xi1>, vector<16xi32>
      %broadcast_in_dim3A_499 = vector.shape_cast %select_n3A_498 : vector<16xi32> to vector<16x1xi32>
      %gather3A_500 = vector.shape_cast %broadcast_in_dim3A_499 : vector<16x1xi32> to vector<16xi32>
      %gather3A_501 = tpu.dynamic_gather %select_n3A[%gather3A_500] in [0] : vector<16xi32>, vector<16xi32> -> vector<16xi32>
      %ge3A_502 = arith.cmpi sge, %add3A_452, %gather3A_501 : vector<16xi32>
      %add3A_503 = arith.constant 2 : i32
      %add3A_504 = vector.broadcast %add3A_503 : i32 to vector<16xi32>
      %add3A_505 = arith.addi %select_n3A_488, %add3A_504 : vector<16xi32>
      %select_n3A_506 = arith.select %ge3A_502, %add3A_505, %select_n3A_488 : vector<16xi1>, vector<16xi32>
      %add3A_507 = arith.constant 0 : i32
      %add3A_508 = vector.broadcast %add3A_507 : i32 to vector<16xi32>
      %add3A_509 = arith.addi %select_n3A_506, %add3A_508 : vector<16xi32>
      %lt3A_510 = arith.constant 0 : i32
      %lt3A_511 = vector.broadcast %lt3A_510 : i32 to vector<16xi32>
      %lt3A_512 = arith.cmpi slt, %add3A_509, %lt3A_511 : vector<16xi32>
      %add3A_513 = arith.constant 16 : i32
      %add3A_514 = vector.broadcast %add3A_513 : i32 to vector<16xi32>
      %add3A_515 = arith.addi %add3A_509, %add3A_514 : vector<16xi32>
      %select_n3A_516 = arith.select %lt3A_512, %add3A_515, %add3A_509 : vector<16xi1>, vector<16xi32>
      %broadcast_in_dim3A_517 = vector.shape_cast %select_n3A_516 : vector<16xi32> to vector<16x1xi32>
      %gather3A_518 = vector.shape_cast %broadcast_in_dim3A_517 : vector<16x1xi32> to vector<16xi32>
      %gather3A_519 = tpu.dynamic_gather %select_n3A[%gather3A_518] in [0] : vector<16xi32>, vector<16xi32> -> vector<16xi32>
      %ge3A_520 = arith.cmpi sge, %add3A_452, %gather3A_519 : vector<16xi32>
      %add3A_521 = arith.constant 1 : i32
      %add3A_522 = vector.broadcast %add3A_521 : i32 to vector<16xi32>
      %add3A_523 = arith.addi %select_n3A_506, %add3A_522 : vector<16xi32>
      %select_n3A_524 = arith.select %ge3A_520, %add3A_523, %select_n3A_506 : vector<16xi1>, vector<16xi32>
      %mul3A_525 = arith.constant 128 : i32
      %mul3A_526 = vector.broadcast %mul3A_525 : i32 to vector<16xi32>
      %mul3A_527 = arith.muli %mul3A_526, %select_n3A_524 : vector<16xi32>
      %add3A_528 = arith.addi %add3A_452, %mul3A_527 : vector<16xi32>
      %mul3A_529 = arith.constant 16 : i32
      %mul3A_530 = arith.muli %scan3A_445, %mul3A_529 : i32
      %swap3A = arith.constant 6 : i32
      %swap3A_531 = arith.index_cast %swap3A : i32 to index
      %swap3A_532 = arith.index_cast %mul3A_530 : i32 to index
      %swap3A_533 = tpu.vector_load %arg15[%swap3A_531, %swap3A_532] {strides = array<i32>} : memref<8x128xi32, #tpu.memory_space<vmem>>, vector<16xi32>,
      tpu.vector_store %arg15[%swap3A_531, %swap3A_532], %add3A_528 {strides = array<i32>} : memref<8x128xi32, #tpu.memory_space<vmem>>, vector<16xi32>,
    }
    %scan3A_193 = arith.constant 8 : i32
    %dma_wait3A_194 = arith.constant 3 : i32
    %dma_wait3A_195 = arith.constant 0 : i32
    %dma_wait3A_196 = arith.constant 0 : i32
    %dma_wait3A_197 = tpu.memref_slice %arg17[%dma_wait3A_194, %dma_wait3A_195, %dma_wait3A_196] : memref<4x128x128xf32, #tpu.memory_space<vmem>> -> memref<1x128x128xf32, #tpu.memory_space<vmem>>
    %dma_wait3A_198 = tpu.memref_squeeze %dma_wait3A_197 : memref<1x128x128xf32, #tpu.memory_space<vmem>> -> memref<128x128xf32, #tpu.memory_space<vmem>>
    %dma_wait3A_199 = arith.constant 384 : i32
    %dma_wait3A_200 = tpu.memref_slice %arg12[%dma_wait3A_199] : memref<1024xi32, #tpu.memory_space<vmem>> -> memref<128xi32, #tpu.memory_space<vmem>>
    %dma_wait3A_201 = arith.constant 0 : i32
    %dma_wait3A_202 = arith.constant 0 : i32
    %dma_wait3A_203 = tpu.memref_slice %arg6[%dma_wait3A_201, %dma_wait3A_202] : memref<1000000x128xf32, #tpu.memory_space<hbm>> -> memref<1000000x128xf32, #tpu.memory_space<hbm>>
    tpu.wait_indirect_dma semaphore(%arg22 : memref<!tpu.dma_semaphore, #tpu.memory_space<semaphore_mem>>) src(%dma_wait3A_203 : memref<1000000x128xf32, #tpu.memory_space<hbm>>) dst(%dma_wait3A_198 : memref<128x128xf32, #tpu.memory_space<vmem>>)
    %dma_start3A_204 = arith.constant 3 : i32
    %dma_start3A_205 = arith.constant 3 : i32
    %dma_start3A_206 = arith.constant 0 : i32
    %dma_start3A_207 = arith.constant 0 : i32
    %dma_start3A_208 = tpu.memref_slice %arg17[%dma_start3A_204, %dma_start3A_206, %dma_start3A_207] : memref<4x128x128xf32, #tpu.memory_space<vmem>> -> memref<1x128x128xf32, #tpu.memory_space<vmem>>
    %dma_start3A_209 = tpu.memref_squeeze %dma_start3A_208 : memref<1x128x128xf32, #tpu.memory_space<vmem>> -> memref<128x128xf32, #tpu.memory_space<vmem>>
    %dma_start3A_210 = arith.constant 0 : i32
    %dma_start3A_211 = tpu.memref_slice %arg15[%dma_start3A_205, %dma_start3A_210] : memref<8x128xi32, #tpu.memory_space<vmem>> -> memref<1x128xi32, #tpu.memory_space<vmem>>
    %dma_start3A_212 = tpu.memref_squeeze %dma_start3A_211 : memref<1x128xi32, #tpu.memory_space<vmem>> -> memref<128xi32, #tpu.memory_space<vmem>>
    %dma_start3A_213 = arith.constant 0 : i32
    %dma_start3A_214 = arith.constant 0 : i32
    %dma_start3A_215 = tpu.memref_slice %arg7[%dma_start3A_213, %dma_start3A_214] : memref<34816x128xf32, #tpu.memory_space<hbm>> -> memref<34816x128xf32, #tpu.memory_space<hbm>>
    tpu.enqueue_indirect_dma source(%dma_start3A_209 : memref<128x128xf32, #tpu.memory_space<vmem>>) target(%dma_start3A_215 : memref<34816x128xf32, #tpu.memory_space<hbm>>) offsets(%dma_start3A_212 : memref<128xi32, #tpu.memory_space<vmem>>) semaphore(%arg23 : memref<!tpu.dma_semaphore, #tpu.memory_space<semaphore_mem>>)
    %dma_wait3A_216 = arith.constant 1 : i32
    %dma_wait3A_217 = arith.constant 1 : i32
    %dma_wait3A_218 = arith.constant 0 : i32
    %dma_wait3A_219 = arith.constant 0 : i32
    %dma_wait3A_220 = tpu.memref_slice %arg17[%dma_wait3A_216, %dma_wait3A_218, %dma_wait3A_219] : memref<4x128x128xf32, #tpu.memory_space<vmem>> -> memref<1x128x128xf32, #tpu.memory_space<vmem>>
    %dma_wait3A_221 = tpu.memref_squeeze %dma_wait3A_220 : memref<1x128x128xf32, #tpu.memory_space<vmem>> -> memref<128x128xf32, #tpu.memory_space<vmem>>
    %dma_wait3A_222 = arith.constant 0 : i32
    %dma_wait3A_223 = tpu.memref_slice %arg15[%dma_wait3A_217, %dma_wait3A_222] : memref<8x128xi32, #tpu.memory_space<vmem>> -> memref<1x128xi32, #tpu.memory_space<vmem>>
    %dma_wait3A_224 = tpu.memref_squeeze %dma_wait3A_223 : memref<1x128xi32, #tpu.memory_space<vmem>> -> memref<128xi32, #tpu.memory_space<vmem>>
    %dma_wait3A_225 = arith.constant 0 : i32
    %dma_wait3A_226 = arith.constant 0 : i32
    %dma_wait3A_227 = tpu.memref_slice %arg7[%dma_wait3A_225, %dma_wait3A_226] : memref<34816x128xf32, #tpu.memory_space<hbm>> -> memref<34816x128xf32, #tpu.memory_space<hbm>>
    tpu.wait_indirect_dma semaphore(%arg23 : memref<!tpu.dma_semaphore, #tpu.memory_space<semaphore_mem>>) src(%dma_wait3A_221 : memref<128x128xf32, #tpu.memory_space<vmem>>) dst(%dma_wait3A_227 : memref<34816x128xf32, #tpu.memory_space<hbm>>)
    %dma_start3A_228 = arith.constant 1 : i32
    %dma_start3A_229 = arith.constant 0 : i32
    %dma_start3A_230 = arith.constant 0 : i32
    %dma_start3A_231 = tpu.memref_slice %arg17[%dma_start3A_228, %dma_start3A_229, %dma_start3A_230] : memref<4x128x128xf32, #tpu.memory_space<vmem>> -> memref<1x128x128xf32, #tpu.memory_space<vmem>>
    %dma_start3A_232 = tpu.memref_squeeze %dma_start3A_231 : memref<1x128x128xf32, #tpu.memory_space<vmem>> -> memref<128x128xf32, #tpu.memory_space<vmem>>
    %dma_start3A_233 = arith.constant 640 : i32
    %dma_start3A_234 = tpu.memref_slice %arg12[%dma_start3A_233] : memref<1024xi32, #tpu.memory_space<vmem>> -> memref<128xi32, #tpu.memory_space<vmem>>
    %dma_start3A_235 = arith.constant 0 : i32
    %dma_start3A_236 = arith.constant 0 : i32
    %dma_start3A_237 = tpu.memref_slice %arg6[%dma_start3A_235, %dma_start3A_236] : memref<1000000x128xf32, #tpu.memory_space<hbm>> -> memref<1000000x128xf32, #tpu.memory_space<hbm>>
    tpu.enqueue_indirect_dma source(%dma_start3A_237 : memref<1000000x128xf32, #tpu.memory_space<hbm>>) target(%dma_start3A_232 : memref<128x128xf32, #tpu.memory_space<vmem>>) offsets(%dma_start3A_234 : memref<128xi32, #tpu.memory_space<vmem>>) semaphore(%arg22 : memref<!tpu.dma_semaphore, #tpu.memory_space<semaphore_mem>>)
    %scan3A_238 = arith.constant 0 : i32
    %scan3A_239 = arith.constant 0 : i32
    %scan3A_240 = arith.constant 8 : i32
    %scan3A_241 = arith.addi %scan3A_239, %scan3A_240 : i32
    %scan3A_242 = arith.constant 1 : i32
    scf.for %scan3A_445 = %scan3A_239 to %scan3A_241 step %scan3A_242  : i32 {
      %add3A_446 = arith.constant 896 : i32
      %add3A_447 = arith.addi %mul3A_2, %add3A_446 : i32
      %mul3A_448 = arith.constant 16 : i32
      %mul3A_449 = arith.muli %scan3A_445, %mul3A_448 : i32
      %add3A_450 = arith.addi %add3A_447, %mul3A_449 : i32
      %add3A_451 = vector.broadcast %add3A_450 : i32 to vector<16xi32>
      %add3A_452 = arith.addi %add3A_451, %iota3A : vector<16xi32>
      %broadcast_in_dim3A_453 = arith.constant 0 : i32
      %broadcast_in_dim3A_454 = vector.broadcast %broadcast_in_dim3A_453 : i32 to vector<16xi32>
      %add3A_455 = arith.constant 7 : i32
      %add3A_456 = vector.broadcast %add3A_455 : i32 to vector<16xi32>
      %add3A_457 = arith.addi %broadcast_in_dim3A_454, %add3A_456 : vector<16xi32>
      %lt3A_458 = arith.constant 0 : i32
      %lt3A_459 = vector.broadcast %lt3A_458 : i32 to vector<16xi32>
      %lt3A_460 = arith.cmpi slt, %add3A_457, %lt3A_459 : vector<16xi32>
      %add3A_461 = arith.constant 16 : i32
      %add3A_462 = vector.broadcast %add3A_461 : i32 to vector<16xi32>
      %add3A_463 = arith.addi %add3A_457, %add3A_462 : vector<16xi32>
      %select_n3A_464 = arith.select %lt3A_460, %add3A_463, %add3A_457 : vector<16xi1>, vector<16xi32>
      %broadcast_in_dim3A_465 = vector.shape_cast %select_n3A_464 : vector<16xi32> to vector<16x1xi32>
      %gather3A = vector.shape_cast %broadcast_in_dim3A_465 : vector<16x1xi32> to vector<16xi32>
      %gather3A_466 = tpu.dynamic_gather %select_n3A[%gather3A] in [0] : vector<16xi32>, vector<16xi32> -> vector<16xi32>
      %ge3A = arith.cmpi sge, %add3A_452, %gather3A_466 : vector<16xi32>
      %add3A_467 = arith.constant 8 : i32
      %add3A_468 = vector.broadcast %add3A_467 : i32 to vector<16xi32>
      %add3A_469 = arith.addi %broadcast_in_dim3A_454, %add3A_468 : vector<16xi32>
      %select_n3A_470 = arith.select %ge3A, %add3A_469, %broadcast_in_dim3A_454 : vector<16xi1>, vector<16xi32>
      %add3A_471 = arith.constant 3 : i32
      %add3A_472 = vector.broadcast %add3A_471 : i32 to vector<16xi32>
      %add3A_473 = arith.addi %select_n3A_470, %add3A_472 : vector<16xi32>
      %lt3A_474 = arith.constant 0 : i32
      %lt3A_475 = vector.broadcast %lt3A_474 : i32 to vector<16xi32>
      %lt3A_476 = arith.cmpi slt, %add3A_473, %lt3A_475 : vector<16xi32>
      %add3A_477 = arith.constant 16 : i32
      %add3A_478 = vector.broadcast %add3A_477 : i32 to vector<16xi32>
      %add3A_479 = arith.addi %add3A_473, %add3A_478 : vector<16xi32>
      %select_n3A_480 = arith.select %lt3A_476, %add3A_479, %add3A_473 : vector<16xi1>, vector<16xi32>
      %broadcast_in_dim3A_481 = vector.shape_cast %select_n3A_480 : vector<16xi32> to vector<16x1xi32>
      %gather3A_482 = vector.shape_cast %broadcast_in_dim3A_481 : vector<16x1xi32> to vector<16xi32>
      %gather3A_483 = tpu.dynamic_gather %select_n3A[%gather3A_482] in [0] : vector<16xi32>, vector<16xi32> -> vector<16xi32>
      %ge3A_484 = arith.cmpi sge, %add3A_452, %gather3A_483 : vector<16xi32>
      %add3A_485 = arith.constant 4 : i32
      %add3A_486 = vector.broadcast %add3A_485 : i32 to vector<16xi32>
      %add3A_487 = arith.addi %select_n3A_470, %add3A_486 : vector<16xi32>
      %select_n3A_488 = arith.select %ge3A_484, %add3A_487, %select_n3A_470 : vector<16xi1>, vector<16xi32>
      %add3A_489 = arith.constant 1 : i32
      %add3A_490 = vector.broadcast %add3A_489 : i32 to vector<16xi32>
      %add3A_491 = arith.addi %select_n3A_488, %add3A_490 : vector<16xi32>
      %lt3A_492 = arith.constant 0 : i32
      %lt3A_493 = vector.broadcast %lt3A_492 : i32 to vector<16xi32>
      %lt3A_494 = arith.cmpi slt, %add3A_491, %lt3A_493 : vector<16xi32>
      %add3A_495 = arith.constant 16 : i32
      %add3A_496 = vector.broadcast %add3A_495 : i32 to vector<16xi32>
      %add3A_497 = arith.addi %add3A_491, %add3A_496 : vector<16xi32>
      %select_n3A_498 = arith.select %lt3A_494, %add3A_497, %add3A_491 : vector<16xi1>, vector<16xi32>
      %broadcast_in_dim3A_499 = vector.shape_cast %select_n3A_498 : vector<16xi32> to vector<16x1xi32>
      %gather3A_500 = vector.shape_cast %broadcast_in_dim3A_499 : vector<16x1xi32> to vector<16xi32>
      %gather3A_501 = tpu.dynamic_gather %select_n3A[%gather3A_500] in [0] : vector<16xi32>, vector<16xi32> -> vector<16xi32>
      %ge3A_502 = arith.cmpi sge, %add3A_452, %gather3A_501 : vector<16xi32>
      %add3A_503 = arith.constant 2 : i32
      %add3A_504 = vector.broadcast %add3A_503 : i32 to vector<16xi32>
      %add3A_505 = arith.addi %select_n3A_488, %add3A_504 : vector<16xi32>
      %select_n3A_506 = arith.select %ge3A_502, %add3A_505, %select_n3A_488 : vector<16xi1>, vector<16xi32>
      %add3A_507 = arith.constant 0 : i32
      %add3A_508 = vector.broadcast %add3A_507 : i32 to vector<16xi32>
      %add3A_509 = arith.addi %select_n3A_506, %add3A_508 : vector<16xi32>
      %lt3A_510 = arith.constant 0 : i32
      %lt3A_511 = vector.broadcast %lt3A_510 : i32 to vector<16xi32>
      %lt3A_512 = arith.cmpi slt, %add3A_509, %lt3A_511 : vector<16xi32>
      %add3A_513 = arith.constant 16 : i32
      %add3A_514 = vector.broadcast %add3A_513 : i32 to vector<16xi32>
      %add3A_515 = arith.addi %add3A_509, %add3A_514 : vector<16xi32>
      %select_n3A_516 = arith.select %lt3A_512, %add3A_515, %add3A_509 : vector<16xi1>, vector<16xi32>
      %broadcast_in_dim3A_517 = vector.shape_cast %select_n3A_516 : vector<16xi32> to vector<16x1xi32>
      %gather3A_518 = vector.shape_cast %broadcast_in_dim3A_517 : vector<16x1xi32> to vector<16xi32>
      %gather3A_519 = tpu.dynamic_gather %select_n3A[%gather3A_518] in [0] : vector<16xi32>, vector<16xi32> -> vector<16xi32>
      %ge3A_520 = arith.cmpi sge, %add3A_452, %gather3A_519 : vector<16xi32>
      %add3A_521 = arith.constant 1 : i32
      %add3A_522 = vector.broadcast %add3A_521 : i32 to vector<16xi32>
      %add3A_523 = arith.addi %select_n3A_506, %add3A_522 : vector<16xi32>
      %select_n3A_524 = arith.select %ge3A_520, %add3A_523, %select_n3A_506 : vector<16xi1>, vector<16xi32>
      %mul3A_525 = arith.constant 128 : i32
      %mul3A_526 = vector.broadcast %mul3A_525 : i32 to vector<16xi32>
      %mul3A_527 = arith.muli %mul3A_526, %select_n3A_524 : vector<16xi32>
      %add3A_528 = arith.addi %add3A_452, %mul3A_527 : vector<16xi32>
      %mul3A_529 = arith.constant 16 : i32
      %mul3A_530 = arith.muli %scan3A_445, %mul3A_529 : i32
      %swap3A = arith.constant 7 : i32
      %swap3A_531 = arith.index_cast %swap3A : i32 to index
      %swap3A_532 = arith.index_cast %mul3A_530 : i32 to index
      %swap3A_533 = tpu.vector_load %arg15[%swap3A_531, %swap3A_532] {strides = array<i32>} : memref<8x128xi32, #tpu.memory_space<vmem>>, vector<16xi32>,
      tpu.vector_store %arg15[%swap3A_531, %swap3A_532], %add3A_528 {strides = array<i32>} : memref<8x128xi32, #tpu.memory_space<vmem>>, vector<16xi32>,
    }
    %scan3A_243 = arith.constant 8 : i32
    %dma_wait3A_244 = arith.constant 0 : i32
    %dma_wait3A_245 = arith.constant 0 : i32
    %dma_wait3A_246 = arith.constant 0 : i32
    %dma_wait3A_247 = tpu.memref_slice %arg17[%dma_wait3A_244, %dma_wait3A_245, %dma_wait3A_246] : memref<4x128x128xf32, #tpu.memory_space<vmem>> -> memref<1x128x128xf32, #tpu.memory_space<vmem>>
    %dma_wait3A_248 = tpu.memref_squeeze %dma_wait3A_247 : memref<1x128x128xf32, #tpu.memory_space<vmem>> -> memref<128x128xf32, #tpu.memory_space<vmem>>
    %dma_wait3A_249 = arith.constant 512 : i32
    %dma_wait3A_250 = tpu.memref_slice %arg12[%dma_wait3A_249] : memref<1024xi32, #tpu.memory_space<vmem>> -> memref<128xi32, #tpu.memory_space<vmem>>
    %dma_wait3A_251 = arith.constant 0 : i32
    %dma_wait3A_252 = arith.constant 0 : i32
    %dma_wait3A_253 = tpu.memref_slice %arg6[%dma_wait3A_251, %dma_wait3A_252] : memref<1000000x128xf32, #tpu.memory_space<hbm>> -> memref<1000000x128xf32, #tpu.memory_space<hbm>>
    tpu.wait_indirect_dma semaphore(%arg22 : memref<!tpu.dma_semaphore, #tpu.memory_space<semaphore_mem>>) src(%dma_wait3A_253 : memref<1000000x128xf32, #tpu.memory_space<hbm>>) dst(%dma_wait3A_248 : memref<128x128xf32, #tpu.memory_space<vmem>>)
    %dma_start3A_254 = arith.constant 0 : i32
    %dma_start3A_255 = arith.constant 4 : i32
    %dma_start3A_256 = arith.constant 0 : i32
    %dma_start3A_257 = arith.constant 0 : i32
    %dma_start3A_258 = tpu.memref_slice %arg17[%dma_start3A_254, %dma_start3A_256, %dma_start3A_257] : memref<4x128x128xf32, #tpu.memory_space<vmem>> -> memref<1x128x128xf32, #tpu.memory_space<vmem>>
    %dma_start3A_259 = tpu.memref_squeeze %dma_start3A_258 : memref<1x128x128xf32, #tpu.memory_space<vmem>> -> memref<128x128xf32, #tpu.memory_space<vmem>>
    %dma_start3A_260 = arith.constant 0 : i32
    %dma_start3A_261 = tpu.memref_slice %arg15[%dma_start3A_255, %dma_start3A_260] : memref<8x128xi32, #tpu.memory_space<vmem>> -> memref<1x128xi32, #tpu.memory_space<vmem>>
    %dma_start3A_262 = tpu.memref_squeeze %dma_start3A_261 : memref<1x128xi32, #tpu.memory_space<vmem>> -> memref<128xi32, #tpu.memory_space<vmem>>
    %dma_start3A_263 = arith.constant 0 : i32
    %dma_start3A_264 = arith.constant 0 : i32
    %dma_start3A_265 = tpu.memref_slice %arg7[%dma_start3A_263, %dma_start3A_264] : memref<34816x128xf32, #tpu.memory_space<hbm>> -> memref<34816x128xf32, #tpu.memory_space<hbm>>
    tpu.enqueue_indirect_dma source(%dma_start3A_259 : memref<128x128xf32, #tpu.memory_space<vmem>>) target(%dma_start3A_265 : memref<34816x128xf32, #tpu.memory_space<hbm>>) offsets(%dma_start3A_262 : memref<128xi32, #tpu.memory_space<vmem>>) semaphore(%arg23 : memref<!tpu.dma_semaphore, #tpu.memory_space<semaphore_mem>>)
    %dma_wait3A_266 = arith.constant 2 : i32
    %dma_wait3A_267 = arith.constant 2 : i32
    %dma_wait3A_268 = arith.constant 0 : i32
    %dma_wait3A_269 = arith.constant 0 : i32
    %dma_wait3A_270 = tpu.memref_slice %arg17[%dma_wait3A_266, %dma_wait3A_268, %dma_wait3A_269] : memref<4x128x128xf32, #tpu.memory_space<vmem>> -> memref<1x128x128xf32, #tpu.memory_space<vmem>>
    %dma_wait3A_271 = tpu.memref_squeeze %dma_wait3A_270 : memref<1x128x128xf32, #tpu.memory_space<vmem>> -> memref<128x128xf32, #tpu.memory_space<vmem>>
    %dma_wait3A_272 = arith.constant 0 : i32
    %dma_wait3A_273 = tpu.memref_slice %arg15[%dma_wait3A_267, %dma_wait3A_272] : memref<8x128xi32, #tpu.memory_space<vmem>> -> memref<1x128xi32, #tpu.memory_space<vmem>>
    %dma_wait3A_274 = tpu.memref_squeeze %dma_wait3A_273 : memref<1x128xi32, #tpu.memory_space<vmem>> -> memref<128xi32, #tpu.memory_space<vmem>>
    %dma_wait3A_275 = arith.constant 0 : i32
    %dma_wait3A_276 = arith.constant 0 : i32
    %dma_wait3A_277 = tpu.memref_slice %arg7[%dma_wait3A_275, %dma_wait3A_276] : memref<34816x128xf32, #tpu.memory_space<hbm>> -> memref<34816x128xf32, #tpu.memory_space<hbm>>
    tpu.wait_indirect_dma semaphore(%arg23 : memref<!tpu.dma_semaphore, #tpu.memory_space<semaphore_mem>>) src(%dma_wait3A_271 : memref<128x128xf32, #tpu.memory_space<vmem>>) dst(%dma_wait3A_277 : memref<34816x128xf32, #tpu.memory_space<hbm>>)
    %dma_start3A_278 = arith.constant 2 : i32
    %dma_start3A_279 = arith.constant 0 : i32
    %dma_start3A_280 = arith.constant 0 : i32
    %dma_start3A_281 = tpu.memref_slice %arg17[%dma_start3A_278, %dma_start3A_279, %dma_start3A_280] : memref<4x128x128xf32, #tpu.memory_space<vmem>> -> memref<1x128x128xf32, #tpu.memory_space<vmem>>
    %dma_start3A_282 = tpu.memref_squeeze %dma_start3A_281 : memref<1x128x128xf32, #tpu.memory_space<vmem>> -> memref<128x128xf32, #tpu.memory_space<vmem>>
    %dma_start3A_283 = arith.constant 768 : i32
    %dma_start3A_284 = tpu.memref_slice %arg12[%dma_start3A_283] : memref<1024xi32, #tpu.memory_space<vmem>> -> memref<128xi32, #tpu.memory_space<vmem>>
    %dma_start3A_285 = arith.constant 0 : i32
    %dma_start3A_286 = arith.constant 0 : i32
    %dma_start3A_287 = tpu.memref_slice %arg6[%dma_start3A_285, %dma_start3A_286] : memref<1000000x128xf32, #tpu.memory_space<hbm>> -> memref<1000000x128xf32, #tpu.memory_space<hbm>>
    tpu.enqueue_indirect_dma source(%dma_start3A_287 : memref<1000000x128xf32, #tpu.memory_space<hbm>>) target(%dma_start3A_282 : memref<128x128xf32, #tpu.memory_space<vmem>>) offsets(%dma_start3A_284 : memref<128xi32, #tpu.memory_space<vmem>>) semaphore(%arg22 : memref<!tpu.dma_semaphore, #tpu.memory_space<semaphore_mem>>)
    %dma_wait3A_288 = arith.constant 1 : i32
    %dma_wait3A_289 = arith.constant 0 : i32
    %dma_wait3A_290 = arith.constant 0 : i32
    %dma_wait3A_291 = tpu.memref_slice %arg17[%dma_wait3A_288, %dma_wait3A_289, %dma_wait3A_290] : memref<4x128x128xf32, #tpu.memory_space<vmem>> -> memref<1x128x128xf32, #tpu.memory_space<vmem>>
    %dma_wait3A_292 = tpu.memref_squeeze %dma_wait3A_291 : memref<1x128x128xf32, #tpu.memory_space<vmem>> -> memref<128x128xf32, #tpu.memory_space<vmem>>
    %dma_wait3A_293 = arith.constant 640 : i32
    %dma_wait3A_294 = tpu.memref_slice %arg12[%dma_wait3A_293] : memref<1024xi32, #tpu.memory_space<vmem>> -> memref<128xi32, #tpu.memory_space<vmem>>
    %dma_wait3A_295 = arith.constant 0 : i32
    %dma_wait3A_296 = arith.constant 0 : i32
    %dma_wait3A_297 = tpu.memref_slice %arg6[%dma_wait3A_295, %dma_wait3A_296] : memref<1000000x128xf32, #tpu.memory_space<hbm>> -> memref<1000000x128xf32, #tpu.memory_space<hbm>>
    tpu.wait_indirect_dma semaphore(%arg22 : memref<!tpu.dma_semaphore, #tpu.memory_space<semaphore_mem>>) src(%dma_wait3A_297 : memref<1000000x128xf32, #tpu.memory_space<hbm>>) dst(%dma_wait3A_292 : memref<128x128xf32, #tpu.memory_space<vmem>>)
    %dma_start3A_298 = arith.constant 1 : i32
    %dma_start3A_299 = arith.constant 5 : i32
    %dma_start3A_300 = arith.constant 0 : i32
    %dma_start3A_301 = arith.constant 0 : i32
    %dma_start3A_302 = tpu.memref_slice %arg17[%dma_start3A_298, %dma_start3A_300, %dma_start3A_301] : memref<4x128x128xf32, #tpu.memory_space<vmem>> -> memref<1x128x128xf32, #tpu.memory_space<vmem>>
    %dma_start3A_303 = tpu.memref_squeeze %dma_start3A_302 : memref<1x128x128xf32, #tpu.memory_space<vmem>> -> memref<128x128xf32, #tpu.memory_space<vmem>>
    %dma_start3A_304 = arith.constant 0 : i32
    %dma_start3A_305 = tpu.memref_slice %arg15[%dma_start3A_299, %dma_start3A_304] : memref<8x128xi32, #tpu.memory_space<vmem>> -> memref<1x128xi32, #tpu.memory_space<vmem>>
    %dma_start3A_306 = tpu.memref_squeeze %dma_start3A_305 : memref<1x128xi32, #tpu.memory_space<vmem>> -> memref<128xi32, #tpu.memory_space<vmem>>
    %dma_start3A_307 = arith.constant 0 : i32
    %dma_start3A_308 = arith.constant 0 : i32
    %dma_start3A_309 = tpu.memref_slice %arg7[%dma_start3A_307, %dma_start3A_308] : memref<34816x128xf32, #tpu.memory_space<hbm>> -> memref<34816x128xf32, #tpu.memory_space<hbm>>
    tpu.enqueue_indirect_dma source(%dma_start3A_303 : memref<128x128xf32, #tpu.memory_space<vmem>>) target(%dma_start3A_309 : memref<34816x128xf32, #tpu.memory_space<hbm>>) offsets(%dma_start3A_306 : memref<128xi32, #tpu.memory_space<vmem>>) semaphore(%arg23 : memref<!tpu.dma_semaphore, #tpu.memory_space<semaphore_mem>>)
    %dma_wait3A_310 = arith.constant 3 : i32
    %dma_wait3A_311 = arith.constant 3 : i32
    %dma_wait3A_312 = arith.constant 0 : i32
    %dma_wait3A_313 = arith.constant 0 : i32
    %dma_wait3A_314 = tpu.memref_slice %arg17[%dma_wait3A_310, %dma_wait3A_312, %dma_wait3A_313] : memref<4x128x128xf32, #tpu.memory_space<vmem>> -> memref<1x128x128xf32, #tpu.memory_space<vmem>>
    %dma_wait3A_315 = tpu.memref_squeeze %dma_wait3A_314 : memref<1x128x128xf32, #tpu.memory_space<vmem>> -> memref<128x128xf32, #tpu.memory_space<vmem>>
    %dma_wait3A_316 = arith.constant 0 : i32
    %dma_wait3A_317 = tpu.memref_slice %arg15[%dma_wait3A_311, %dma_wait3A_316] : memref<8x128xi32, #tpu.memory_space<vmem>> -> memref<1x128xi32, #tpu.memory_space<vmem>>
    %dma_wait3A_318 = tpu.memref_squeeze %dma_wait3A_317 : memref<1x128xi32, #tpu.memory_space<vmem>> -> memref<128xi32, #tpu.memory_space<vmem>>
    %dma_wait3A_319 = arith.constant 0 : i32
    %dma_wait3A_320 = arith.constant 0 : i32
    %dma_wait3A_321 = tpu.memref_slice %arg7[%dma_wait3A_319, %dma_wait3A_320] : memref<34816x128xf32, #tpu.memory_space<hbm>> -> memref<34816x128xf32, #tpu.memory_space<hbm>>
    tpu.wait_indirect_dma semaphore(%arg23 : memref<!tpu.dma_semaphore, #tpu.memory_space<semaphore_mem>>) src(%dma_wait3A_315 : memref<128x128xf32, #tpu.memory_space<vmem>>) dst(%dma_wait3A_321 : memref<34816x128xf32, #tpu.memory_space<hbm>>)
    %dma_start3A_322 = arith.constant 3 : i32
    %dma_start3A_323 = arith.constant 0 : i32
    %dma_start3A_324 = arith.constant 0 : i32
    %dma_start3A_325 = tpu.memref_slice %arg17[%dma_start3A_322, %dma_start3A_323, %dma_start3A_324] : memref<4x128x128xf32, #tpu.memory_space<vmem>> -> memref<1x128x128xf32, #tpu.memory_space<vmem>>
    %dma_start3A_326 = tpu.memref_squeeze %dma_start3A_325 : memref<1x128x128xf32, #tpu.memory_space<vmem>> -> memref<128x128xf32, #tpu.memory_space<vmem>>
    %dma_start3A_327 = arith.constant 896 : i32
    %dma_start3A_328 = tpu.memref_slice %arg12[%dma_start3A_327] : memref<1024xi32, #tpu.memory_space<vmem>> -> memref<128xi32, #tpu.memory_space<vmem>>
    %dma_start3A_329 = arith.constant 0 : i32
    %dma_start3A_330 = arith.constant 0 : i32
    %dma_start3A_331 = tpu.memref_slice %arg6[%dma_start3A_329, %dma_start3A_330] : memref<1000000x128xf32, #tpu.memory_space<hbm>> -> memref<1000000x128xf32, #tpu.memory_space<hbm>>
    tpu.enqueue_indirect_dma source(%dma_start3A_331 : memref<1000000x128xf32, #tpu.memory_space<hbm>>) target(%dma_start3A_326 : memref<128x128xf32, #tpu.memory_space<vmem>>) offsets(%dma_start3A_328 : memref<128xi32, #tpu.memory_space<vmem>>) semaphore(%arg22 : memref<!tpu.dma_semaphore, #tpu.memory_space<semaphore_mem>>)
    %dma_wait3A_332 = arith.constant 2 : i32
    %dma_wait3A_333 = arith.constant 0 : i32
    %dma_wait3A_334 = arith.constant 0 : i32
    %dma_wait3A_335 = tpu.memref_slice %arg17[%dma_wait3A_332, %dma_wait3A_333, %dma_wait3A_334] : memref<4x128x128xf32, #tpu.memory_space<vmem>> -> memref<1x128x128xf32, #tpu.memory_space<vmem>>
    %dma_wait3A_336 = tpu.memref_squeeze %dma_wait3A_335 : memref<1x128x128xf32, #tpu.memory_space<vmem>> -> memref<128x128xf32, #tpu.memory_space<vmem>>
    %dma_wait3A_337 = arith.constant 768 : i32
    %dma_wait3A_338 = tpu.memref_slice %arg12[%dma_wait3A_337] : memref<1024xi32, #tpu.memory_space<vmem>> -> memref<128xi32, #tpu.memory_space<vmem>>
    %dma_wait3A_339 = arith.constant 0 : i32
    %dma_wait3A_340 = arith.constant 0 : i32
    %dma_wait3A_341 = tpu.memref_slice %arg6[%dma_wait3A_339, %dma_wait3A_340] : memref<1000000x128xf32, #tpu.memory_space<hbm>> -> memref<1000000x128xf32, #tpu.memory_space<hbm>>
    tpu.wait_indirect_dma semaphore(%arg22 : memref<!tpu.dma_semaphore, #tpu.memory_space<semaphore_mem>>) src(%dma_wait3A_341 : memref<1000000x128xf32, #tpu.memory_space<hbm>>) dst(%dma_wait3A_336 : memref<128x128xf32, #tpu.memory_space<vmem>>)
    %dma_start3A_342 = arith.constant 2 : i32
    %dma_start3A_343 = arith.constant 6 : i32
    %dma_start3A_344 = arith.constant 0 : i32
    %dma_start3A_345 = arith.constant 0 : i32
    %dma_start3A_346 = tpu.memref_slice %arg17[%dma_start3A_342, %dma_start3A_344, %dma_start3A_345] : memref<4x128x128xf32, #tpu.memory_space<vmem>> -> memref<1x128x128xf32, #tpu.memory_space<vmem>>
    %dma_start3A_347 = tpu.memref_squeeze %dma_start3A_346 : memref<1x128x128xf32, #tpu.memory_space<vmem>> -> memref<128x128xf32, #tpu.memory_space<vmem>>
    %dma_start3A_348 = arith.constant 0 : i32
    %dma_start3A_349 = tpu.memref_slice %arg15[%dma_start3A_343, %dma_start3A_348] : memref<8x128xi32, #tpu.memory_space<vmem>> -> memref<1x128xi32, #tpu.memory_space<vmem>>
    %dma_start3A_350 = tpu.memref_squeeze %dma_start3A_349 : memref<1x128xi32, #tpu.memory_space<vmem>> -> memref<128xi32, #tpu.memory_space<vmem>>
    %dma_start3A_351 = arith.constant 0 : i32
    %dma_start3A_352 = arith.constant 0 : i32
    %dma_start3A_353 = tpu.memref_slice %arg7[%dma_start3A_351, %dma_start3A_352] : memref<34816x128xf32, #tpu.memory_space<hbm>> -> memref<34816x128xf32, #tpu.memory_space<hbm>>
    tpu.enqueue_indirect_dma source(%dma_start3A_347 : memref<128x128xf32, #tpu.memory_space<vmem>>) target(%dma_start3A_353 : memref<34816x128xf32, #tpu.memory_space<hbm>>) offsets(%dma_start3A_350 : memref<128xi32, #tpu.memory_space<vmem>>) semaphore(%arg23 : memref<!tpu.dma_semaphore, #tpu.memory_space<semaphore_mem>>)
    %dma_wait3A_354 = arith.constant 3 : i32
    %dma_wait3A_355 = arith.constant 0 : i32
    %dma_wait3A_356 = arith.constant 0 : i32
    %dma_wait3A_357 = tpu.memref_slice %arg17[%dma_wait3A_354, %dma_wait3A_355, %dma_wait3A_356] : memref<4x128x128xf32, #tpu.memory_space<vmem>> -> memref<1x128x128xf32, #tpu.memory_space<vmem>>
    %dma_wait3A_358 = tpu.memref_squeeze %dma_wait3A_357 : memref<1x128x128xf32, #tpu.memory_space<vmem>> -> memref<128x128xf32, #tpu.memory_space<vmem>>
    %dma_wait3A_359 = arith.constant 896 : i32
    %dma_wait3A_360 = tpu.memref_slice %arg12[%dma_wait3A_359] : memref<1024xi32, #tpu.memory_space<vmem>> -> memref<128xi32, #tpu.memory_space<vmem>>
    %dma_wait3A_361 = arith.constant 0 : i32
    %dma_wait3A_362 = arith.constant 0 : i32
    %dma_wait3A_363 = tpu.memref_slice %arg6[%dma_wait3A_361, %dma_wait3A_362] : memref<1000000x128xf32, #tpu.memory_space<hbm>> -> memref<1000000x128xf32, #tpu.memory_space<hbm>>
    tpu.wait_indirect_dma semaphore(%arg22 : memref<!tpu.dma_semaphore, #tpu.memory_space<semaphore_mem>>) src(%dma_wait3A_363 : memref<1000000x128xf32, #tpu.memory_space<hbm>>) dst(%dma_wait3A_358 : memref<128x128xf32, #tpu.memory_space<vmem>>)
    %dma_start3A_364 = arith.constant 3 : i32
    %dma_start3A_365 = arith.constant 7 : i32
    %dma_start3A_366 = arith.constant 0 : i32
    %dma_start3A_367 = arith.constant 0 : i32
    %dma_start3A_368 = tpu.memref_slice %arg17[%dma_start3A_364, %dma_start3A_366, %dma_start3A_367] : memref<4x128x128xf32, #tpu.memory_space<vmem>> -> memref<1x128x128xf32, #tpu.memory_space<vmem>>
    %dma_start3A_369 = tpu.memref_squeeze %dma_start3A_368 : memref<1x128x128xf32, #tpu.memory_space<vmem>> -> memref<128x128xf32, #tpu.memory_space<vmem>>
    %dma_start3A_370 = arith.constant 0 : i32
    %dma_start3A_371 = tpu.memref_slice %arg15[%dma_start3A_365, %dma_start3A_370] : memref<8x128xi32, #tpu.memory_space<vmem>> -> memref<1x128xi32, #tpu.memory_space<vmem>>
    %dma_start3A_372 = tpu.memref_squeeze %dma_start3A_371 : memref<1x128xi32, #tpu.memory_space<vmem>> -> memref<128xi32, #tpu.memory_space<vmem>>
    %dma_start3A_373 = arith.constant 0 : i32
    %dma_start3A_374 = arith.constant 0 : i32
    %dma_start3A_375 = tpu.memref_slice %arg7[%dma_start3A_373, %dma_start3A_374] : memref<34816x128xf32, #tpu.memory_space<hbm>> -> memref<34816x128xf32, #tpu.memory_space<hbm>>
    tpu.enqueue_indirect_dma source(%dma_start3A_369 : memref<128x128xf32, #tpu.memory_space<vmem>>) target(%dma_start3A_375 : memref<34816x128xf32, #tpu.memory_space<hbm>>) offsets(%dma_start3A_372 : memref<128xi32, #tpu.memory_space<vmem>>) semaphore(%arg23 : memref<!tpu.dma_semaphore, #tpu.memory_space<semaphore_mem>>)
    %dma_wait3A_376 = arith.constant 0 : i32
    %dma_wait3A_377 = arith.constant 0 : i32
    %dma_wait3A_378 = tpu.memref_slice %arg6[%dma_wait3A_376, %dma_wait3A_377] : memref<1000000x128xf32, #tpu.memory_space<hbm>> -> memref<1000000x128xf32, #tpu.memory_space<hbm>>
    tpu.wait_indirect_dma semaphore(%arg25 : memref<!tpu.dma_semaphore, #tpu.memory_space<semaphore_mem>>) src(%dma_wait3A_378 : memref<1000000x128xf32, #tpu.memory_space<hbm>>) dst(%arg18 : memref<64x128xf32, #tpu.memory_space<vmem>>)
    %dma_start3A_379 = arith.constant 0 : i32
    %dma_start3A_380 = arith.constant 0 : i32
    %dma_start3A_381 = tpu.memref_slice %arg16[%dma_start3A_379, %dma_start3A_380] : memref<1x64xi32, #tpu.memory_space<vmem>> -> memref<1x64xi32, #tpu.memory_space<vmem>>
    %dma_start3A_382 = tpu.memref_squeeze %dma_start3A_381 : memref<1x64xi32, #tpu.memory_space<vmem>> -> memref<64xi32, #tpu.memory_space<vmem>>
    %dma_start3A_383 = arith.constant 0 : i32
    %dma_start3A_384 = arith.constant 0 : i32
    %dma_start3A_385 = tpu.memref_slice %arg7[%dma_start3A_383, %dma_start3A_384] : memref<34816x128xf32, #tpu.memory_space<hbm>> -> memref<34816x128xf32, #tpu.memory_space<hbm>>
    tpu.enqueue_indirect_dma source(%arg18 : memref<64x128xf32, #tpu.memory_space<vmem>>) target(%dma_start3A_385 : memref<34816x128xf32, #tpu.memory_space<hbm>>) offsets(%dma_start3A_382 : memref<64xi32, #tpu.memory_space<vmem>>) semaphore(%arg25 : memref<!tpu.dma_semaphore, #tpu.memory_space<semaphore_mem>>)
    %eq3A = arith.constant 0 : i32
    %eq3A_386 = arith.cmpi eq, %add3A, %eq3A : i32
    %convert_element_type3A = arith.extui %eq3A_386 : i1 to i32
    %cond3A = arith.constant 0 : i32
    %cond3A_387 = arith.cmpi ne, %convert_element_type3A, %cond3A : i32
    scf.if %cond3A_387 {
      %eq3A_445 = arith.constant 0 : i32
      %eq3A_446 = vector.broadcast %eq3A_445 : i32 to vector<16xi32>
      %eq3A_447 = arith.cmpi eq, %iota3A, %eq3A_446 : vector<16xi32>
      %sub3A = arith.constant 1 : i32
      %sub3A_448 = vector.broadcast %sub3A : i32 to vector<16xi32>
      %sub3A_449 = arith.subi %iota3A, %sub3A_448 : vector<16xi32>
      %max3A = arith.constant 0 : i32
      %max3A_450 = vector.broadcast %max3A : i32 to vector<16xi32>
      %max3A_451 = arith.maxsi %sub3A_449, %max3A_450 : vector<16xi32>
      %lt3A_452 = arith.constant 0 : i32
      %lt3A_453 = vector.broadcast %lt3A_452 : i32 to vector<16xi32>
      %lt3A_454 = arith.cmpi slt, %max3A_451, %lt3A_453 : vector<16xi32>
      %add3A_455 = arith.constant 16 : i32
      %add3A_456 = vector.broadcast %add3A_455 : i32 to vector<16xi32>
      %add3A_457 = arith.addi %max3A_451, %add3A_456 : vector<16xi32>
      %select_n3A_458 = arith.select %lt3A_454, %add3A_457, %max3A_451 : vector<16xi1>, vector<16xi32>
      %broadcast_in_dim3A_459 = vector.shape_cast %select_n3A_458 : vector<16xi32> to vector<16x1xi32>
      %gather3A = vector.shape_cast %broadcast_in_dim3A_459 : vector<16x1xi32> to vector<16xi32>
      %gather3A_460 = tpu.dynamic_gather %select_n3A[%gather3A] in [0] : vector<16xi32>, vector<16xi32> -> vector<16xi32>
      %jit3A_461 = arith.constant 0 : i32
      %broadcast_in_dim3A_462 = vector.broadcast %jit3A_461 : i32 to vector<16xi32>
      %select_n3A_463 = arith.select %eq3A_447, %broadcast_in_dim3A_462, %gather3A_460 : vector<16xi1>, vector<16xi32>
      %sub3A_464 = arith.subi %select_n3A, %select_n3A_463 : vector<16xi32>
      %swap3A = arith.constant 0 : index
      %swap3A_465 = tpu.vector_load %arg19[%swap3A] {strides = array<i32>} : memref<16xi32, #tpu.memory_space<vmem>>, vector<16xi32>,
      tpu.vector_store %arg19[%swap3A], %sub3A_464 {strides = array<i32>} : memref<16xi32, #tpu.memory_space<vmem>>, vector<16xi32>,
      "tpu.region"() ({
        %run_scoped3A = tpu.sem_alloc : memref<!tpu.dma_semaphore, #tpu.memory_space<semaphore_mem>>
        tpu.enqueue_dma source(%arg19 : memref<16xi32, #tpu.memory_space<vmem>>) target(%arg9 : memref<16xi32, #tpu.memory_space<hbm>>) target_semaphore(%run_scoped3A : memref<!tpu.dma_semaphore, #tpu.memory_space<semaphore_mem>>)
        tpu.wait_dma2 semaphore(%run_scoped3A : memref<!tpu.dma_semaphore, #tpu.memory_space<semaphore_mem>>) src(%arg19 : memref<16xi32, #tpu.memory_space<vmem>>) dst(%arg9 : memref<16xi32, #tpu.memory_space<hbm>>)
        tpu.yield
      }) : () -> ()
      %add3A_466 = arith.constant 128 : i32
      %add3A_467 = vector.broadcast %add3A_466 : i32 to vector<16xi32>
      %add3A_468 = arith.addi %sub3A_464, %add3A_467 : vector<16xi32>
      %swap3A_469 = arith.constant 0 : index
      %swap3A_470 = tpu.vector_load %arg19[%swap3A_469] {strides = array<i32>} : memref<16xi32, #tpu.memory_space<vmem>>, vector<16xi32>,
      tpu.vector_store %arg19[%swap3A_469], %add3A_468 {strides = array<i32>} : memref<16xi32, #tpu.memory_space<vmem>>, vector<16xi32>,
      "tpu.region"() ({
        %run_scoped3A = tpu.sem_alloc : memref<!tpu.dma_semaphore, #tpu.memory_space<semaphore_mem>>
        tpu.enqueue_dma source(%arg19 : memref<16xi32, #tpu.memory_space<vmem>>) target(%arg8 : memref<16xi32, #tpu.memory_space<hbm>>) target_semaphore(%run_scoped3A : memref<!tpu.dma_semaphore, #tpu.memory_space<semaphore_mem>>)
        tpu.wait_dma2 semaphore(%run_scoped3A : memref<!tpu.dma_semaphore, #tpu.memory_space<semaphore_mem>>) src(%arg19 : memref<16xi32, #tpu.memory_space<vmem>>) dst(%arg8 : memref<16xi32, #tpu.memory_space<hbm>>)
        tpu.yield
      }) : () -> ()
      %broadcast_in_dim3A_471 = arith.constant 128 : i32
      %broadcast_in_dim3A_472 = vector.broadcast %broadcast_in_dim3A_471 : i32 to vector<16xi32>
      %swap3A_473 = arith.constant 0 : index
      %swap3A_474 = tpu.vector_load %arg19[%swap3A_473] {strides = array<i32>} : memref<16xi32, #tpu.memory_space<vmem>>, vector<16xi32>,
      tpu.vector_store %arg19[%swap3A_473], %broadcast_in_dim3A_472 {strides = array<i32>} : memref<16xi32, #tpu.memory_space<vmem>>, vector<16xi32>,
      "tpu.region"() ({
        %run_scoped3A = tpu.sem_alloc : memref<!tpu.dma_semaphore, #tpu.memory_space<semaphore_mem>>
        tpu.enqueue_dma source(%arg19 : memref<16xi32, #tpu.memory_space<vmem>>) target(%arg10 : memref<16xi32, #tpu.memory_space<hbm>>) target_semaphore(%run_scoped3A : memref<!tpu.dma_semaphore, #tpu.memory_space<semaphore_mem>>)
        tpu.wait_dma2 semaphore(%run_scoped3A : memref<!tpu.dma_semaphore, #tpu.memory_space<semaphore_mem>>) src(%arg19 : memref<16xi32, #tpu.memory_space<vmem>>) dst(%arg10 : memref<16xi32, #tpu.memory_space<hbm>>)
        tpu.yield
      }) : () -> ()
    } else {
    }
    %dma_wait3A_388 = tpu.memref_slice %arg5[%mul3A_2] : memref<32768xi32, #tpu.memory_space<hbm>> -> memref<1024xi32, #tpu.memory_space<hbm>>
    %dma_wait3A_389 = tpu.memref_slice %arg5[%mul3A_2] : memref<32768xi32, #tpu.memory_space<hbm>> -> memref<1024xi32, #tpu.memory_space<hbm>>
    tpu.wait_dma2 semaphore(%arg24 : memref<!tpu.dma_semaphore, #tpu.memory_space<semaphore_mem>>) src(%dma_wait3A_389 : memref<1024xi32, #tpu.memory_space<hbm>>) dst(%arg20 : memref<1024xi32, #tpu.memory_space<vmem>>)
    "tpu.region"() ({
      %run_scoped3A = tpu.sem_alloc : memref<!tpu.dma_semaphore, #tpu.memory_space<semaphore_mem>>
      %dma_start3A_445 = tpu.memref_slice %arg11[%mul3A_2] : memref<32768xi32, #tpu.memory_space<hbm>> -> memref<1024xi32, #tpu.memory_space<hbm>>
      %dma_start3A_446 = tpu.memref_slice %arg11[%mul3A_2] : memref<32768xi32, #tpu.memory_space<hbm>> -> memref<1024xi32, #tpu.memory_space<hbm>>
      tpu.enqueue_dma source(%arg20 : memref<1024xi32, #tpu.memory_space<vmem>>) target(%dma_start3A_446 : memref<1024xi32, #tpu.memory_space<hbm>>) target_semaphore(%run_scoped3A : memref<!tpu.dma_semaphore, #tpu.memory_space<semaphore_mem>>)
      %dma_wait3A_447 = tpu.memref_slice %arg11[%mul3A_2] : memref<32768xi32, #tpu.memory_space<hbm>> -> memref<1024xi32, #tpu.memory_space<hbm>>
      %dma_wait3A_448 = tpu.memref_slice %arg11[%mul3A_2] : memref<32768xi32, #tpu.memory_space<hbm>> -> memref<1024xi32, #tpu.memory_space<hbm>>
      tpu.wait_dma2 semaphore(%run_scoped3A : memref<!tpu.dma_semaphore, #tpu.memory_space<semaphore_mem>>) src(%arg20 : memref<1024xi32, #tpu.memory_space<vmem>>) dst(%dma_wait3A_448 : memref<1024xi32, #tpu.memory_space<hbm>>)
      tpu.yield
    }) : () -> ()
    %dma_wait3A_390 = arith.constant 0 : i32
    %dma_wait3A_391 = arith.constant 4 : i32
    %dma_wait3A_392 = arith.constant 0 : i32
    %dma_wait3A_393 = arith.constant 0 : i32
    %dma_wait3A_394 = tpu.memref_slice %arg17[%dma_wait3A_390, %dma_wait3A_392, %dma_wait3A_393] : memref<4x128x128xf32, #tpu.memory_space<vmem>> -> memref<1x128x128xf32, #tpu.memory_space<vmem>>
    %dma_wait3A_395 = tpu.memref_squeeze %dma_wait3A_394 : memref<1x128x128xf32, #tpu.memory_space<vmem>> -> memref<128x128xf32, #tpu.memory_space<vmem>>
    %dma_wait3A_396 = arith.constant 0 : i32
    %dma_wait3A_397 = tpu.memref_slice %arg15[%dma_wait3A_391, %dma_wait3A_396] : memref<8x128xi32, #tpu.memory_space<vmem>> -> memref<1x128xi32, #tpu.memory_space<vmem>>
    %dma_wait3A_398 = tpu.memref_squeeze %dma_wait3A_397 : memref<1x128xi32, #tpu.memory_space<vmem>> -> memref<128xi32, #tpu.memory_space<vmem>>
    %dma_wait3A_399 = arith.constant 0 : i32
    %dma_wait3A_400 = arith.constant 0 : i32
    %dma_wait3A_401 = tpu.memref_slice %arg7[%dma_wait3A_399, %dma_wait3A_400] : memref<34816x128xf32, #tpu.memory_space<hbm>> -> memref<34816x128xf32, #tpu.memory_space<hbm>>
    tpu.wait_indirect_dma semaphore(%arg23 : memref<!tpu.dma_semaphore, #tpu.memory_space<semaphore_mem>>) src(%dma_wait3A_395 : memref<128x128xf32, #tpu.memory_space<vmem>>) dst(%dma_wait3A_401 : memref<34816x128xf32, #tpu.memory_space<hbm>>)
    %dma_wait3A_402 = arith.constant 1 : i32
    %dma_wait3A_403 = arith.constant 5 : i32
    %dma_wait3A_404 = arith.constant 0 : i32
    %dma_wait3A_405 = arith.constant 0 : i32
    %dma_wait3A_406 = tpu.memref_slice %arg17[%dma_wait3A_402, %dma_wait3A_404, %dma_wait3A_405] : memref<4x128x128xf32, #tpu.memory_space<vmem>> -> memref<1x128x128xf32, #tpu.memory_space<vmem>>
    %dma_wait3A_407 = tpu.memref_squeeze %dma_wait3A_406 : memref<1x128x128xf32, #tpu.memory_space<vmem>> -> memref<128x128xf32, #tpu.memory_space<vmem>>
    %dma_wait3A_408 = arith.constant 0 : i32
    %dma_wait3A_409 = tpu.memref_slice %arg15[%dma_wait3A_403, %dma_wait3A_408] : memref<8x128xi32, #tpu.memory_space<vmem>> -> memref<1x128xi32, #tpu.memory_space<vmem>>
    %dma_wait3A_410 = tpu.memref_squeeze %dma_wait3A_409 : memref<1x128xi32, #tpu.memory_space<vmem>> -> memref<128xi32, #tpu.memory_space<vmem>>
    %dma_wait3A_411 = arith.constant 0 : i32
    %dma_wait3A_412 = arith.constant 0 : i32
    %dma_wait3A_413 = tpu.memref_slice %arg7[%dma_wait3A_411, %dma_wait3A_412] : memref<34816x128xf32, #tpu.memory_space<hbm>> -> memref<34816x128xf32, #tpu.memory_space<hbm>>
    tpu.wait_indirect_dma semaphore(%arg23 : memref<!tpu.dma_semaphore, #tpu.memory_space<semaphore_mem>>) src(%dma_wait3A_407 : memref<128x128xf32, #tpu.memory_space<vmem>>) dst(%dma_wait3A_413 : memref<34816x128xf32, #tpu.memory_space<hbm>>)
    %dma_wait3A_414 = arith.constant 2 : i32
    %dma_wait3A_415 = arith.constant 6 : i32
    %dma_wait3A_416 = arith.constant 0 : i32
    %dma_wait3A_417 = arith.constant 0 : i32
    %dma_wait3A_418 = tpu.memref_slice %arg17[%dma_wait3A_414, %dma_wait3A_416, %dma_wait3A_417] : memref<4x128x128xf32, #tpu.memory_space<vmem>> -> memref<1x128x128xf32, #tpu.memory_space<vmem>>
    %dma_wait3A_419 = tpu.memref_squeeze %dma_wait3A_418 : memref<1x128x128xf32, #tpu.memory_space<vmem>> -> memref<128x128xf32, #tpu.memory_space<vmem>>
    %dma_wait3A_420 = arith.constant 0 : i32
    %dma_wait3A_421 = tpu.memref_slice %arg15[%dma_wait3A_415, %dma_wait3A_420] : memref<8x128xi32, #tpu.memory_space<vmem>> -> memref<1x128xi32, #tpu.memory_space<vmem>>
    %dma_wait3A_422 = tpu.memref_squeeze %dma_wait3A_421 : memref<1x128xi32, #tpu.memory_space<vmem>> -> memref<128xi32, #tpu.memory_space<vmem>>
    %dma_wait3A_423 = arith.constant 0 : i32
    %dma_wait3A_424 = arith.constant 0 : i32
    %dma_wait3A_425 = tpu.memref_slice %arg7[%dma_wait3A_423, %dma_wait3A_424] : memref<34816x128xf32, #tpu.memory_space<hbm>> -> memref<34816x128xf32, #tpu.memory_space<hbm>>
    tpu.wait_indirect_dma semaphore(%arg23 : memref<!tpu.dma_semaphore, #tpu.memory_space<semaphore_mem>>) src(%dma_wait3A_419 : memref<128x128xf32, #tpu.memory_space<vmem>>) dst(%dma_wait3A_425 : memref<34816x128xf32, #tpu.memory_space<hbm>>)
    %dma_wait3A_426 = arith.constant 3 : i32
    %dma_wait3A_427 = arith.constant 7 : i32
    %dma_wait3A_428 = arith.constant 0 : i32
    %dma_wait3A_429 = arith.constant 0 : i32
    %dma_wait3A_430 = tpu.memref_slice %arg17[%dma_wait3A_426, %dma_wait3A_428, %dma_wait3A_429] : memref<4x128x128xf32, #tpu.memory_space<vmem>> -> memref<1x128x128xf32, #tpu.memory_space<vmem>>
    %dma_wait3A_431 = tpu.memref_squeeze %dma_wait3A_430 : memref<1x128x128xf32, #tpu.memory_space<vmem>> -> memref<128x128xf32, #tpu.memory_space<vmem>>
    %dma_wait3A_432 = arith.constant 0 : i32
    %dma_wait3A_433 = tpu.memref_slice %arg15[%dma_wait3A_427, %dma_wait3A_432] : memref<8x128xi32, #tpu.memory_space<vmem>> -> memref<1x128xi32, #tpu.memory_space<vmem>>
    %dma_wait3A_434 = tpu.memref_squeeze %dma_wait3A_433 : memref<1x128xi32, #tpu.memory_space<vmem>> -> memref<128xi32, #tpu.memory_space<vmem>>
    %dma_wait3A_435 = arith.constant 0 : i32
    %dma_wait3A_436 = arith.constant 0 : i32
    %dma_wait3A_437 = tpu.memref_slice %arg7[%dma_wait3A_435, %dma_wait3A_436] : memref<34816x128xf32, #tpu.memory_space<hbm>> -> memref<34816x128xf32, #tpu.memory_space<hbm>>
    tpu.wait_indirect_dma semaphore(%arg23 : memref<!tpu.dma_semaphore, #tpu.memory_space<semaphore_mem>>) src(%dma_wait3A_431 : memref<128x128xf32, #tpu.memory_space<vmem>>) dst(%dma_wait3A_437 : memref<34816x128xf32, #tpu.memory_space<hbm>>)
    %dma_wait3A_438 = arith.constant 0 : i32
    %dma_wait3A_439 = arith.constant 0 : i32
    %dma_wait3A_440 = tpu.memref_slice %arg16[%dma_wait3A_438, %dma_wait3A_439] : memref<1x64xi32, #tpu.memory_space<vmem>> -> memref<1x64xi32, #tpu.memory_space<vmem>>
    %dma_wait3A_441 = tpu.memref_squeeze %dma_wait3A_440 : memref<1x64xi32, #tpu.memory_space<vmem>> -> memref<64xi32, #tpu.memory_space<vmem>>
    %dma_wait3A_442 = arith.constant 0 : i32
    %dma_wait3A_443 = arith.constant 0 : i32
    %dma_wait3A_444 = tpu.memref_slice %arg7[%dma_wait3A_442, %dma_wait3A_443] : memref<34816x128xf32, #tpu.memory_space<hbm>> -> memref<34816x128xf32, #tpu.memory_space<hbm>>
    tpu.wait_indirect_dma semaphore(%arg25 : memref<!tpu.dma_semaphore, #tpu.memory_space<semaphore_mem>>) src(%arg18 : memref<64x128xf32, #tpu.memory_space<vmem>>) dst(%dma_wait3A_444 : memref<34816x128xf32, #tpu.memory_space<hbm>>)
    return
  }
}

</mosaic_0001>

<sc_bundles>
// kernel: kernel.3.cloned.1.call-start
scs
__scs_entry_jumppad:
0x0: {  	(pc) =	sbr.rel $0x88, $3  }
0x1: {  	(tag) =	ssettag $0x0;
	lr =	simm.s32 $0x1  }
0x2: {  	[smem:$0x3F9C] =	sst lr;
	_ =	strace $0xD0000000  }
0x3: {  	_ = 	snop  }
0x4: {  	_ = 	snop  }
0x5: {  	_ = 	snop  }
0x6: {  	_ = 	snop  }
0x7: {  	_ = 	snop  }
__scs_overlays_trampoline_lowered:
0x8: {  	[smem:$0x3FAB] =	sst s0  }
0x9: {  	[smem:$0x3FAC] =	sst s1  }
0xa: {  	[smem:$0x3FAD] =	sst s2  }
0xb: {  	[smem:$0x3FAE] =	sst s3  }
0xc: {  	[smem:$0x3FAF] =	sst s4  }
0xd: {  	[smem:$0x3FB0] =	sst s5  }
0xe: {  	[smem:$0x3FB1] =	sst s6  }
0xf: {  	[smem:$0x3FB2] =	sst s7  }
0x10: {  	[smem:$0x3FB3] =	sst s8  }
0x11: {  	[smem:$0x3FB4] =	sst s9;
	s0 =	simm.s32 @!p0 $0x0  }
0x12: {  	s1 =	sld [smem:$0x3F9A];
	s0 =	simm.s32 @p0 $0x1  }
0x13: {  	[smem:$0x3FB5] =	sst s0;
	s0 =	simm.s32 @!p1 $0x0  }
0x14: {  	s2 =	sld [smem:$0x3F99];
	s0 =	simm.s32 @p1 $0x1  }
0x15: {  	[smem:$0x3FB6] =	sst s0;
	s0 =	simm.s32 @!p2 $0x0  }
0x16: {  	s3 =	sld [smem:$0x3FDB];
	s0 =	simm.s32 @p2 $0x1  }
0x17: {  	s4 =	simm.s32 $0x1BF5;
	[smem:$0x3FB8] =	sst s0  }
0x18: {  	s0 =	sld [smem:$0x3F9B];
	_ =	swait.ge [sflag:s4], $0x0  }
0x19: {  	s7 =	sld [smem:$0x3F9C]  }
0x1a: {  	s8 =	sadd.s32 $0xFFFFE003, lr  }
0x1b: {  	s9 =	sadd.s32 $0xFFFFFEF7, lr;
	s5 =	simm.s32 $0xFFFFFFFF;
	p2 =	slt.u32 s8, $0xFFFFF086  }
0x1c: {  	p1 =	slt.u32 s9, $0xF7A;
	s5 =	simm.s32 @!p2 $0x0  }
0x1d: {  	s5 =	simm.s32 @p1 $0x1;
	p0 =	seq.s32 s7, s2  }
0x1e: {  	s7 =	smul.u32 @!p0 $0xF7A, s2;
	p2 =	seq.s32 @!p0 s5, $0x0  }
0x1f: {  	s9 =	smul.u32 $0xF7A, s1;
	s8 =	simm.s32 @!p0 $0x1BF5;
	p2 =	por !p2, p0  }
0x20: {  	[sflag:s8] =	ssyncset.s32 @!p0 $0xFFFFF086;
	s6 =	sadd.s32 @!p0 s3, s7;
	s7 =	simm.s32 @!p0 $0x108  }
0x21: {  	s3 =	sadd.s32 s3, s9;
	s6 =	sadd.s32 @!p0 $0x88, s6;
	s7 =	simm.s32 @p2 $0x1082  }
0x22: {  	[simem:s7], [sflag:s8] =	dma.local @!p0 [hbm:s6], $0xF7A  }
0x23: {  	s9 =	sor.u32 $0xD0000000, s2;
	s6 =	simm.s32 $0x108;
	_ =	swait.ge @!p0 [sflag:s8], $0x0  }
0x24: {  	s3 =	sadd.s32 $0x88, s3;
	s6 =	simm.s32 @!p1 $0x1082;
	[sflag:s4] =	ssyncset.s32 $0xFFFFF086  }
0x25: {  	[simem:s6], [sflag:s4] =	dma.local [hbm:s3], $0xF7A  }
0x26: {  	[smem:$0x3F9C] =	sst s1;
	(tag) =	ssettag s2;
	_ =	strace s9  }
0x27: {  	s1 =	sld [smem:$0x3FAC]  }
0x28: {  	s2 =	sld [smem:$0x3FAD]  }
0x29: {  	s4 =	sld [smem:$0x3FAF]  }
0x2a: {  	p0 =	seq.s32 s5, $0x0;
	s5 =	sld [smem:$0x3FB0]  }
0x2b: {  	s6 =	sld [smem:$0x3FB1]  }
0x2c: {  	s7 =	sld [smem:$0x3FB2]  }
0x2d: {  	s3 =	simm.s32 $0x108;
	s8 =	sld [smem:$0x3FB3]  }
0x2e: {  	s3 =	simm.s32 @!p0 $0x1082;
	s9 =	sld [smem:$0x3FB4]  }
0x2f: {  	lr =	sadd.s32 s0, s3;
	s0 =	sld [smem:$0x3FAB]  }
0x30: {  	s3 =	sld [smem:$0x3FAE]  }
0x31: {  	[smem:$0x3FB7] =	sst s10  }
0x32: {  	s10 =	sld [smem:$0x3FB5];
	_ =	sdelay $0x3  }
0x33: {  	p0 =	seq.s32 s10, $0x1;
	s10 =	sld [smem:$0x3FB7];
	_ =	sdelay $0x3  }
0x34: {  	[smem:$0x3FB7] =	sst s10  }
0x35: {  	s10 =	sld [smem:$0x3FB6];
	_ =	sdelay $0x3  }
0x36: {  	p1 =	seq.s32 s10, $0x1;
	s10 =	sld [smem:$0x3FB7];
	_ =	sdelay $0x3  }
0x37: {  	[smem:$0x3FB7] =	sst s10  }
0x38: {  	s10 =	sld [smem:$0x3FB8]  }
0x39: {  	_ = 	snop;
	(pc) =	sbr.ind lr, $3  }
0x3a: {  	_ = 	snop  }
0x3b: {  	_ = 	snop  }
0x3c: {  	p2 =	seq.s32 s10, $0x1;
	s10 =	sld [smem:$0x3FB7]  }
0x3d: {  	_ =	shalt  }
0x3e: {  	_ =	shalt  }
0x3f: {  	_ =	shalt  }
0x40: {  	_ =	shalt  }
0x41: {  	_ =	shalt  }
0x42: {  	_ =	shalt  }
0x43: {  	_ =	shalt  }
0x44: {  	_ =	shalt  }
0x45: {  	_ =	shalt  }
0x46: {  	_ =	shalt  }
0x47: {  	_ =	shalt  }
0x48: {  	_ =	shalt  }
0x49: {  	_ =	shalt  }
0x4a: {  	_ =	shalt  }
0x4b: {  	_ =	shalt  }
0x4c: {  	_ =	shalt  }
0x4d: {  	_ =	shalt  }
0x4e: {  	_ =	shalt  }
0x4f: {  	_ =	shalt  }
0x50: {  	_ =	shalt  }
0x51: {  	_ =	shalt  }
0x52: {  	_ =	shalt  }
0x53: {  	_ =	shalt  }
0x54: {  	_ =	shalt  }
0x55: {  	_ =	shalt  }
0x56: {  	_ =	shalt  }
0x57: {  	_ =	shalt  }
0x58: {  	_ =	shalt  }
0x59: {  	_ =	shalt  }
0x5a: {  	_ =	shalt  }
0x5b: {  	_ =	shalt  }
0x5c: {  	_ =	shalt  }
0x5d: {  	_ =	shalt  }
0x5e: {  	_ =	shalt  }
0x5f: {  	_ =	shalt  }
0x60: {  	_ =	shalt  }
0x61: {  	_ =	shalt  }
0x62: {  	_ =	shalt  }
0x63: {  	_ =	shalt  }
0x64: {  	_ =	shalt  }
0x65: {  	_ =	shalt  }
0x66: {  	_ =	shalt  }
0x67: {  	_ =	shalt  }
0x68: {  	_ =	shalt  }
0x69: {  	_ =	shalt  }
0x6a: {  	_ =	shalt  }
0x6b: {  	_ =	shalt  }
0x6c: {  	_ =	shalt  }
0x6d: {  	_ =	shalt  }
0x6e: {  	_ =	shalt  }
0x6f: {  	_ =	shalt  }
0x70: {  	_ =	shalt  }
0x71: {  	_ =	shalt  }
0x72: {  	_ =	shalt  }
0x73: {  	_ =	shalt  }
0x74: {  	_ =	shalt  }
0x75: {  	_ =	shalt  }
0x76: {  	_ =	shalt  }
0x77: {  	_ =	shalt  }
0x78: {  	_ =	shalt  }
0x79: {  	_ =	shalt  }
0x7a: {  	_ =	shalt  }
0x7b: {  	_ =	shalt  }
0x7c: {  	_ =	shalt  }
0x7d: {  	_ =	shalt  }
0x7e: {  	_ =	shalt  }
0x7f: {  	_ =	shalt  }
0x80: {  	_ =	shalt  }
0x81: {  	_ =	shalt  }
0x82: {  	_ =	shalt  }
0x83: {  	_ =	shalt  }
0x84: {  	_ =	shalt  }
0x85: {  	_ =	shalt  }
0x86: {  	_ =	shalt  }
0x87: {  	_ =	shalt  }
.Lfunc_end0:
.L_simem_size_0:
called_computation_lowered:
.L_overlay_start_0:
0x88: {  	s2 =	sld [smem:$0x3FD9]  }
0x89: {  	s3 =	sld [smem:$0x3FFE];
	_ =	sdelay $0x1  }
0x8a: {  	s1 =	srdreg.scid  }
0x8b: {  	s0 =	sand.u32 $0x1, s1  }
0x8c: {  	s30 =	sshll.u32 s0, $0xA;
	s2 =	sadd.s32 s3, s2  }
0x8d: {  	s2 =	sadd.s32 s2, s30  }
0x8e: {  	[smem:$0x3FC3] =	sst s2  }
0x8f: {  	_ = 	snop  }
0x90: {  	s2 =	sld [smem:$0x3FC9]  }
0x91: {  	s31 =	sld [smem:$0x3FC8]  }
0x92: {  	s4 =	sld [smem:$0x3FD0]  }
0x93: {  	s5 =	sld [smem:$0x3FC7]  }
0x94: {  	s6 =	sld [smem:$0x3FC6]  }
0x95: {  	s8 =	simm.s32 $0xA;
	s9 =	simm.s32 $0x10;
	s7 =	sld [smem:$0x3FC5]  }
0x96: {  	[smem:s9], [sflag:s8] =	dma.local [hbm:s4], $0x1  }
0x97: {  	_ =	swait.eq [sflag:s8], $0x1  }
0x98: {  	s17 =	sld [smem:$0x10]  }
0x99: {  	s18 =	sld [smem:$0x11]  }
0x9a: {  	s10 =	sld [smem:$0x12];
	[sflag:s8] =	ssyncset.done $0x0  }
0x9b: {  	s11 =	sld [smem:$0x13];
	[sflag:s8] =	ssyncadd.s32 $0xFFFFFFFF  }
0x9c: {  	s19 =	sld [smem:$0x14];
	(tm) =	ssettm $0x1  }
0x9d: {  	s12 =	sld [smem:$0x3FFB];
	_ =	sdelay $0x3  }
0x9e: {  	_ =	strace s12  }
0x9f: {  	s12 =	sld [smem:$0x3FFC];
	_ =	sdelay $0x3  }
0xa0: {  	_ =	strace s12  }
0xa1: {  	s12 =	sld [smem:$0x3FFD];
	_ =	sdelay $0x3  }
0xa2: {  	_ =	strace s12  }
0xa3: {  	_ =	strace $0x8FFFFFFF  }
0xa4: {  	s20 =	sld [smem:$0x3FDB];
	_ =	sdelay $0x1  }
0xa5: {  	s13 =	simm.s32 $_scs_section_size  }
0xa6: {  	s14 =	simm.s32 $_size__tile_overlayer_lowered;
	s15 =	simm.s32 $_tile_overlayer_lowered  }
0xa7: {  	s23 =	simm.s32 $0x1BFF;
	s22 =	sshll.u32 s15, $0x1;
	s12 =	sadd.s32 s13, s20  }
0xa8: {  	s16 =	simm.s32 $0x0;
	s21 =	sshll.u32 s14, $0x1;
	s14 =	sadd.s32 s22, s12  }
0xa9: {  	[timem:s16], [sflag:s23] =	dma.local [hbm:s14], s21  }
0xaa: {  	_ =	swait.ge [sflag:s23], s21  }
0xab: {  	s13 =	ssub.s32 $0x0, s21;
	[sflag:s23] =	ssyncset.done $0x0  }
0xac: {  	[sflag:s23] =	ssyncadd.s32 s13;
	_ =	sdelay $0x1  }
0xad: {  	s24 =	simm.s32 $0x1B8B  }
0xae: {  	_ =	swait.ge [sflag:s24], $0x1  }
0xaf: {  	[sflag:s24] =	ssyncset.done $0x0  }
0xb0: {  	s25 =	simm.s32 $0x1B8E;
	[sflag:s24] =	ssyncadd.s32 $0xFFFFFFFF  }
0xb1: {  	s26 =	simm.s32 $execute0_lowered;
	[smem:$0x3FD2] =	sst s25  }
0xb2: {  	s13 =	sshll.u32 s26, $0x1;
	_ =	strace $0x80000046;
	[dreg:$0x1] =	wrdreg $0xFFFFFFFF  }
0xb3: {  	s28 =	simm.s32 $_size_execute0_lowered;
	s12 =	sadd.s32 s12, s13;
	[dreg:$0x0] =	wrdreg $0x0  }
0xb4: {  	s13 =	sshll.u32 s28, $0x1;
	[dreg:$0x2] =	wrdreg s12  }
0xb5: {  	[dreg:$0x3] =	wrdreg s13  }
0xb6: {  	[dreg:$0x4] =	wrdreg $0xC0  }
0xb7: {  	_ =	task [dreg:s16], $0x5FFFF  }
0xb8: {  	[dreg:$0x1] =	wrdreg $0xFFFFFFFF  }
0xb9: {  	[dreg:$0x0] =	wrdreg $0x60  }
0xba: {  	[dreg:$0x2] =	wrdreg s2  }
0xbb: {  	[dreg:$0x3] =	wrdreg s5  }
0xbc: {  	[dreg:$0x4] =	wrdreg s31  }
0xbd: {  	[dreg:$0x5] =	wrdreg s6  }
0xbe: {  	[dreg:$0x6] =	wrdreg s7  }
0xbf: {  	[dreg:$0x7] =	wrdreg s17  }
0xc0: {  	[dreg:$0x8] =	wrdreg s18  }
0xc1: {  	[dreg:$0x9] =	wrdreg s11  }
0xc2: {  	[dreg:$0xa] =	wrdreg s19  }
0xc3: {  	[dreg:$0xb] =	wrdreg s10  }
0xc4: {  	[dreg:$0xc] =	wrdreg $0x9  }
0xc5: {  	_ =	task.clear_ibuf [dreg:s16], $0xDFFFF;
	_ =	strace $0x90000046  }
0xc6: {  	s29 =	simm.s32 $0x9;
	_ =	strace $0x80000048  }
0xc7: {  	_ =	swait.ge [sflag:s29], $0x1  }
0xc8: {  	[sflag:s29] =	ssyncadd.s32 $0xFFFFFFFF  }
0xc9: {  	_ =	strace $0x90000048  }
0xca: {  	_ =	sfence  }
0xcb: {  	s30 =	sld [smem:$0x0];
	_ =	sdelay $0x2  }
0xcc: {  	s31 =	sshll.u32 s1, $0xD;
	s1 =	sshrl.u32 s1, $0x2  }
0xcd: {  	s3 =	sand.u32 $0x4000, s31;
	s1 =	sadd.s32 s1, s30  }
0xce: {  	s0 =	sor.u32 s3, s0;
	s1 =	sshll.u32 s1, $0x11  }
0xcf: {  	s0 =	sor.u32 s1, s0  }
0xd0: {  	s0 =	sadd.s32 $0x8F2B, s0  }
0xd1: {  	[sflag:s0] =	ssyncadd.remote.s32 $0x1  }
0xd2: {  	_ =	sfence.sel $0xFFFF  }
0xd3: {  	[dreg:$0x0] =	wrdreg $0xFFFFFFFF;
	(pc) =	sbr.abs _section_cstart, $3  }
0xd4: {  	[dreg:$0x1] =	wrdreg $0xFFFFFFFF  }
0xd5: {  	_ =	task.clear_ibuf [dreg:s16], $0x2FFFF;
	_ =	strace $0x9FFFFFFF  }
0xd6: {  	(tm) =	ssettm $0x7FFFFFFF  }
0xd7: {  	_ =	shalt  }
tec
execute0_lowered:
.L_overlay_start_1:
0x0: {  	(tag) =	ssettag $0x1  }
0x1: {  	s0 =	rddreg [dreg:$0x0]  }
0x2: {  	s2 =	rddreg [dreg:$0x1]  }
0x3: {  	s4 =	rddreg [dreg:$0x3]  }
0x4: {  	s1 =	rddreg [dreg:$0x4]  }
0x5: {  	s3 =	rddreg [dreg:$0x5]  }
0x6: {  	s5 =	rddreg [dreg:$0x9];
	s6 =	srdreg.scid;
	s8 =	simm.s32 $0x0  }
0x7: {  	s13 =	stileid.u32;
	s25 =	simm.s32 $0x6;
	s28 =	simm.s32 $0x40  }
0x8: {  	s29 =	simm.s32 $0x10980;
	s30 =	simm.s32 $0x80;
	s31 =	simm.s32 $0x980  }
0x9: {  	s6 =	sand.u32 $0x1, s6;
	[smem:$0x7FF] =	sst s8;
	s10 =	sshll.u32 s13, $0x1  }
0xa: {  	s19 =	sshll.u32 s13, $0xB;
	s13 =	simm.s32 $0x12A00;
	s7 =	ssub.s32 $0x2, s6  }
0xb: {  	_ =	strace $0x80000047;
	s26 =	sor.u32 s6, s10;
	s20 =	sshll.u32 s6, $0xA  }
0xc: {  	s6 =	simm.s32 $0x3;
	s9 =	sshrl.u32 s7, $0x1;
	s10 =	sshll.u32 s26, $0x6  }
0xd: {  	s11 =	sshll.u32 s26, $0x7;
	s12 =	sshll.u32 s26, $0x3;
	s14 =	sor.u32 s20, s19  }
0xe: {  	p0 =	sne.s32 s26, $0x0;
	s26 =	simm.s32 $0x1;
	s7 =	ssub.s32 s7, s9  }
0xf: {  	s0 =	sadd.s32 s0, s11;
	s16 =	sadd.s32 s2, s12;
	s17 =	sadd.s32 s4, s11  }
0x10: {  	s18 =	sadd.s32 s5, s11;
	s22 =	sor.u32 $0x10, s10;
	s23 =	sor.u32 $0x20, s10  }
0x11: {  	s24 =	sor.u32 $0x30, s10;
	s15 =	sor.u32 $0x80, s14;
	[dreg:$0xb] =	wrdreg s0  }
0x12: {  	v0 =	vlaneseq.u32;
	s19 =	sor.u32 $0x280, s14;
	s20 =	sor.u32 $0x300, s14;
	[dreg:$0xc] =	wrdreg s16  }
0x13: {  	v9 =	vimm.s32 $0x7;
	v10 =	vimm.s32 $0x8;
	v11 =	vimm.s32 $0x0;
	s2 =	simm.s32 $0x4980;
	s5 =	simm.s32 $0x8980;
	[dreg:$0xd] =	wrdreg s17  }
0x14: {  	v5 =	vmov s10;
	v1 =	vor.u32 s10, v0;
	s4 =	simm.s32 $0x5;
	s9 =	simm.s32 $0x0;
	[dreg:$0xe] =	wrdreg s18;
	v6 =	vmov s22  }
0x15: {  	s21 =	smax.u32 s7, $0x1;
	s16 =	sor.u32 $0x100, s14;
	s17 =	sor.u32 $0x180, s14;
	v2 =	vor.u32 s22, v0;
	v7 =	vmov s23;
	v3 =	vor.u32 s23, v0  }
0x16: {  	s18 =	sor.u32 $0x200, s14;
	s7 =	simm.s32 $0x2;
	s0 =	simm.s32 $0xC980;
	v8 =	vmov s24;
	v4 =	vor.u32 s24, v0;
	v5 =	vshrl.u32 v5, $0x7  }
0x17: {  	s24 =	simm.s32 $0x4;
	[dreg:$0xf] =	wrdreg s21;
	s21 =	sor.u32 $0x380, s14;
	v6 =	vshrl.u32 v6, $0x7;
	v7 =	vshrl.u32 v7, $0x7;
	v8 =	vshrl.u32 v8, $0x7  }
.LBB2_1:
0x18: {  	s10 =	rddreg [dreg:$0xb]  }
0x19: {  	[tilespmem:s8], [sflag:$0x1] =	stream.linear.gather [hbm4b:s10+s8], $0x400, $0x38;
	[tilespmem:$0x12E00] =	vst v63  }
0x1a: {  	s23 =	rddreg [dreg:$0xc];
	s11 =	simm.s32 $0x400  }
0x1b: {  	[tilespmem:s11], [sflag:$0x1] =	stream.linear.gather [hbm4b:s23+s8], $0x40, $0x38;
	[tilespmem:$0x12E00] =	vst v63  }
0x1c: {  	s12 =	rddreg [dreg:$0xd]  }
0x1d: {  	[tilespmem:s13], [sflag:$0x4] =	stream.linear.gather [hbm4b:s12+s8], $0x400, $0x38;
	[tilespmem:$0x12E00] =	vst v63  }
0x1e: {  	s22 =	simm.s32 $0x480;
	s13 =	rddreg [dreg:$0x2]  }
0x1f: {  	[tilespmem:s22], [sflag:$0x6] =	stream.linear.gather [hbm4b:s13+s8], $0xF, $0x38;
	[tilespmem:$0x12E00] =	vst v63  }
0x20: {  	_ =	swait.ge [sflag:s25], $0xF  }
0x21: {  	[sflag:s25] =	ssyncset.done $0x0  }
0x22: {  	[sflag:s25] =	ssyncadd.s32 $0xFFFFFFF1  }
0x23: {  	v12 =	vld [tilespmem:$0x480];
	_ =	sdelay $0x3  }
0x24: {  	vm0 =	veq.s32 v0, $0xF  }
0x25: {  	v12 =	vsel vm0, $0x8000, v12  }
0x26: {  	v13 =	vperm.xlane v12, v9  }
0x27: {  	v16 =	vor.u32 s14, v0  }
0x28: {  	vm0 =	vlt.s32 v16, v13  }
0x29: {  	v14 =	vsel vm0, $0x0, v10  }
0x2a: {  	v15 =	vor.u32 $0x3, v14  }
0x2b: {  	v15 =	vperm.xlane v12, v15  }
0x2c: {  	v17 =	vperm.xlane v12, v5  }
0x2d: {  	s23 =	sadd.s32 $0x10, s14;
	v19 =	vperm.xlane v12, v6;
	v18 =	vor.u32 $0x4, v14;
	vm0 =	vlt.s32 v16, v15  }
0x2e: {  	v21 =	vperm.xlane v12, v7;
	v15 =	vor.u32 s23, v0;
	v14 =	vsel vm0, v14, v18  }
0x2f: {  	v22 =	vperm.xlane v12, v8;
	vm0 =	vlt.s32 v15, v13;
	v18 =	vor.u32 $0x1, v14  }
0x30: {  	v17 =	vadd.s32 v17, v1;
	v20 =	vsel vm0, $0x0, v10;
	v18 =	vperm.xlane v12, v18  }
0x31: {  	v19 =	vadd.s32 v19, v2;
	[tilespmem:$0x900] =	vst v17;
	v17 =	vor.u32 $0x2, v14;
	v23 =	vor.u32 $0x3, v20  }
0x32: {  	v63 =	vor.u32 $0x4, v20;
	v23 =	vperm.xlane v12, v23;
	vm0 =	vlt.s32 v16, v18  }
0x33: {  	s12 =	sadd.s32 $0x10, s23;
	[tilespmem:$0x910] =	vst v19;
	v18 =	vadd.s32 v22, v4;
	v14 =	vsel vm0, v14, v17;
	v17 =	vadd.s32 v21, v3  }
0x34: {  	s10 =	simm.s32 $0x40;
	vm1 =	vlt.s32 v15, v23;
	[tilespmem:$0x920] =	vst v17;
	v17 =	vor.u32 s12, v0;
	v19 =	vperm.xlane v12, v14  }
0x35: {  	s11 =	simm.s32 $0x80;
	s22 =	simm.s32 $0x0;
	s23 =	simm.s32 $0xC0;
	[tilespmem:$0x930] =	vst v18;
	v18 =	vsel vm1, v20, v63;
	vm0 =	vlt.s32 v17, v13  }
.LBB2_2:
0x36: {  	p1 =	sne.s32 s23, $0x1C0;
	v20 =	vsel vm0, $0x0, v10;
	v21 =	vor.u32 $0x1, v18;
	vm0 =	vge.s32 v16, v19  }
0x37: {  	v19 =	vor.u32 $0x3, v20;
	v21 =	vperm.xlane v12, v21;
	v22 =	vsel vm0, $0x1, v11  }
.Ltmp0:
0x38: {  	v19 =	vperm.xlane v12, v19;
	v14 =	vor.u32 v22, v14;
	(pc) =	sbr.rel @p1 .LBB2_2-.Ltmp0, $4  }
0x39: {  	s12 =	sadd.s32 $0x10, s12;
	vm0 =	vlt.s32 v15, v21;
	v21 =	vor.u32 $0x2, v18;
	v22 =	vshll.u32 v14, $0x7  }
0x3a: {  	s13 =	sshra.s32 s22, $0x2;
	s22 =	smov.u32 s10;
	s10 =	smov.u32 s11;
	v14 =	vsel vm0, v18, v21;
	v18 =	vadd.s32 v16, v22;
	v16 =	vmovc v15;
	v15 =	vmovc v17;
	v17 =	vor.u32 s12, v0  }
0x3b: {  	s11 =	smov.u32 s23;
	v21 =	vor.u32 $0x4, v20;
	vm1 =	vlt.s32 v15, v19;
	v19 =	vperm.xlane v12, v14;
	[tilespmem:s13+$0x500] =	vst v18  }
0x3c: {  	s23 =	sadd.s32 $0x40, s23;
	vm0 =	vlt.s32 v17, v13;
	v18 =	vsel vm1, v20, v21  }
0x3d: {  	v20 =	vsel vm0, $0x0, v10  }
0x3e: {  	v21 =	vor.u32 $0x3, v20  }
0x3f: {  	v22 =	vor.u32 $0x1, v18;
	v21 =	vperm.xlane v12, v21  }
0x40: {  	vm1 =	vge.s32 v16, v19;
	v22 =	vperm.xlane v12, v22  }
0x41: {  	v55 =	vor.u32 $0x4, v20;
	v56 =	vsel vm1, $0x1, v11;
	vm0 =	vlt.s32 v17, v21  }
0x42: {  	v57 =	vor.u32 v56, v14;
	v19 =	vsel vm0, v20, v55  }
0x43: {  	vm0 =	vlt.s32 v15, v22;
	v20 =	vor.u32 $0x2, v18;
	v21 =	vor.u32 $0x1, v19  }
0x44: {  	v14 =	vor.u32 s15, v0;
	v18 =	vsel vm0, v18, v20;
	v20 =	vperm.xlane v12, v21  }
0x45: {  	vm1 =	vlt.s32 v14, v13  }
0x46: {  	v58 =	vperm.xlane v12, v18;
	vm0 =	vlt.s32 v17, v20;
	v20 =	vor.u32 $0x2, v19  }
0x47: {  	v21 =	vshll.u32 v57, $0x7;
	v19 =	vsel vm0, v19, v20;
	v20 =	vsel vm1, $0x0, v10  }
0x48: {  	v21 =	vadd.s32 v16, v21;
	v24 =	vor.u32 $0x3, v20  }
0x49: {  	s12 =	sadd.s32 $0x10, s15;
	vm0 =	vge.s32 v15, v58;
	v23 =	vperm.xlane v12, v19;
	v59 =	vperm.xlane v12, v24  }
0x4a: {  	v16 =	vor.u32 s12, v0;
	v22 =	vsel vm0, $0x1, v11;
	v60 =	vor.u32 $0x4, v20  }
0x4b: {  	v18 =	vor.u32 v22, v18;
	vm0 =	vge.s32 v17, v23;
	vm1 =	vlt.s32 v14, v59  }
0x4c: {  	v18 =	vshll.u32 v18, $0x7;
	v23 =	vsel vm0, $0x1, v11;
	v20 =	vsel vm1, v20, v60  }
0x4d: {  	vm0 =	vlt.s32 v16, v13;
	v19 =	vor.u32 v23, v19;
	v62 =	vor.u32 $0x1, v20  }
0x4e: {  	v61 =	vsel vm0, $0x0, v10;
	v19 =	vshll.u32 v19, $0x7;
	v23 =	vperm.xlane v12, v62  }
0x4f: {  	s13 =	sshra.s32 s22, $0x2;
	v18 =	vadd.s32 v15, v18;
	v63 =	vor.u32 $0x3, v61;
	v19 =	vadd.s32 v17, v19  }
0x50: {  	s10 =	sshra.s32 s10, $0x2;
	s12 =	sadd.s32 $0x10, s12;
	[tilespmem:s13+$0x500] =	vst v21;
	v24 =	vperm.xlane v12, v63;
	v17 =	vor.u32 $0x2, v20;
	vm0 =	vlt.s32 v14, v23  }
0x51: {  	s23 =	sshra.s32 s11, $0x2;
	v15 =	vor.u32 s12, v0;
	[tilespmem:s10+$0x500] =	vst v18;
	v17 =	vsel vm0, v20, v17  }
0x52: {  	s22 =	simm.s32 $0x0;
	v18 =	vor.u32 $0x4, v61;
	[tilespmem:s23+$0x500] =	vst v19;
	vm1 =	vlt.s32 v16, v24;
	v19 =	vperm.xlane v12, v17  }
0x53: {  	s11 =	simm.s32 $0x80;
	s10 =	simm.s32 $0x40;
	s23 =	simm.s32 $0xC0;
	vm0 =	vlt.s32 v15, v13;
	v18 =	vsel vm1, v61, v18  }
.LBB2_4:
0x54: {  	p1 =	sne.s32 s23, $0x1C0;
	v20 =	vsel vm0, $0x0, v10;
	v21 =	vor.u32 $0x1, v18;
	vm0 =	vge.s32 v14, v19  }
0x55: {  	v19 =	vor.u32 $0x3, v20;
	v21 =	vperm.xlane v12, v21;
	v22 =	vsel vm0, $0x1, v11  }
.Ltmp1:
0x56: {  	v19 =	vperm.xlane v12, v19;
	v17 =	vor.u32 v22, v17;
	(pc) =	sbr.rel @p1 .LBB2_4-.Ltmp1, $4  }
0x57: {  	s12 =	sadd.s32 $0x10, s12;
	vm0 =	vlt.s32 v16, v21;
	v21 =	vor.u32 $0x2, v18;
	v22 =	vshll.u32 v17, $0x7  }
0x58: {  	s13 =	sshra.s32 s22, $0x2;
	s22 =	smov.u32 s10;
	s10 =	smov.u32 s11;
	v17 =	vsel vm0, v18, v21;
	v18 =	vadd.s32 v14, v22;
	v14 =	vmovc v16;
	v16 =	vmovc v15;
	v15 =	vor.u32 s12, v0  }
0x59: {  	s11 =	smov.u32 s23;
	v21 =	vor.u32 $0x4, v20;
	vm1 =	vlt.s32 v16, v19;
	v19 =	vperm.xlane v12, v17;
	[tilespmem:s13+$0x580] =	vst v18  }
0x5a: {  	s23 =	sadd.s32 $0x40, s23;
	vm0 =	vlt.s32 v15, v13;
	v18 =	vsel vm1, v20, v21  }
0x5b: {  	v20 =	vsel vm0, $0x0, v10  }
0x5c: {  	v21 =	vor.u32 $0x3, v20  }
0x5d: {  	v21 =	vperm.xlane v12, v21;
	_ =	sdelay $0x1  }
0x5e: {  	v57 =	vor.u32 $0x4, v20;
	vm0 =	vlt.s32 v15, v21  }
0x5f: {  	v22 =	vor.u32 $0x1, v18;
	v20 =	vsel vm0, v20, v57  }
0x60: {  	v58 =	vperm.xlane v12, v22;
	v59 =	vor.u32 $0x1, v20  }
0x61: {  	v22 =	vperm.xlane v12, v59  }
0x62: {  	v60 =	vor.u32 $0x2, v18;
	vm0 =	vlt.s32 v16, v58  }
0x63: {  	v18 =	vsel vm0, v18, v60;
	v61 =	vor.u32 $0x2, v20;
	vm0 =	vlt.s32 v15, v22  }
0x64: {  	v62 =	vperm.xlane v12, v18;
	v20 =	vsel vm0, v20, v61  }
0x65: {  	vm0 =	vge.s32 v14, v19;
	v19 =	vperm.xlane v12, v20  }
0x66: {  	v63 =	vsel vm0, $0x1, v11;
	vm0 =	vge.s32 v16, v62  }
0x67: {  	v17 =	vor.u32 v63, v17;
	v21 =	vsel vm0, $0x1, v11;
	vm0 =	vge.s32 v15, v19  }
0x68: {  	v17 =	vshll.u32 v17, $0x7;
	v18 =	vor.u32 v21, v18;
	v19 =	vsel vm0, $0x1, v11  }
0x69: {  	s12 =	sshra.s32 s22, $0x2;
	v14 =	vadd.s32 v14, v17;
	v17 =	vshll.u32 v18, $0x7;
	v18 =	vor.u32 v19, v20  }
0x6a: {  	s10 =	sshra.s32 s10, $0x2;
	[tilespmem:s12+$0x580] =	vst v14;
	v16 =	vadd.s32 v16, v17;
	v14 =	vor.u32 s16, v0;
	v17 =	vshll.u32 v18, $0x7  }
0x6b: {  	s13 =	sshra.s32 s11, $0x2;
	[tilespmem:s10+$0x580] =	vst v16;
	vm0 =	vlt.s32 v14, v13;
	v15 =	vadd.s32 v15, v17  }
0x6c: {  	[tilespmem:s13+$0x580] =	vst v15;
	v15 =	vsel vm0, $0x0, v10  }
0x6d: {  	v16 =	vor.u32 $0x3, v15  }
0x6e: {  	v17 =	vperm.xlane v12, v16  }
0x6f: {  	s22 =	sadd.s32 $0x10, s16  }
0x70: {  	_ =	swait.ge [sflag:s26], $0x400;
	v16 =	vor.u32 s22, v0;
	vm0 =	vlt.s32 v14, v17;
	v17 =	vor.u32 $0x4, v15  }
0x71: {  	[sflag:s26] =	ssyncset.done $0x0;
	vm1 =	vlt.s32 v16, v13;
	v15 =	vsel vm0, v15, v17  }
0x72: {  	[sflag:s26] =	ssyncadd.s32 $0xFFFFFC00;
	v20 =	vsel vm1, $0x0, v10;
	v17 =	vor.u32 $0x1, v15  }
0x73: {  	_ =	swait.ge [sflag:s26], $0x40;
	v18 =	vor.u32 $0x3, v20;
	v17 =	vperm.xlane v12, v17  }
0x74: {  	s23 =	simm.s32 $0x400;
	[sflag:s26] =	ssyncset.done $0x0;
	v19 =	vperm.xlane v12, v18  }
0x75: {  	s11 =	simm.s32 $0x40;
	s12 =	sadd.s32 $0x10, s22;
	[sflag:s26] =	ssyncadd.s32 $0xFFFFFFC0;
	v18 =	vor.u32 $0x2, v15;
	vm0 =	vlt.s32 v14, v17  }
0x76: {  	[tilespmem:s29], [sflag:$0x5] =	stream.indirect.gather [hbm4b:s1+s28], $0x80, s23, s28, $0xb8;
	vm1 =	vlt.s32 v16, v19;
	v18 =	vsel vm0, v15, v18;
	[tilespmem:$0x12E00] =	vst v63  }
0x77: {  	s10 =	simm.s32 $0x0;
	s22 =	simm.s32 $0x80;
	s23 =	simm.s32 $0xC0;
	v17 =	vor.u32 s12, v0;
	v15 =	vor.u32 $0x4, v20;
	v19 =	vperm.xlane v12, v18  }
0x78: {  	[tilespmem:s31], [sflag:$0x2] =	stream.indirect.gather [hbm4b:s1+s30], $0x80, s10, s30, $0xb8;
	vm0 =	vlt.s32 v17, v13;
	v15 =	vsel vm1, v20, v15;
	[tilespmem:$0x12E00] =	vst v63  }
.LBB2_6:
0x79: {  	p1 =	sne.s32 s23, $0x1C0;
	v20 =	vsel vm0, $0x0, v10;
	v21 =	vor.u32 $0x1, v15;
	vm0 =	vge.s32 v14, v19  }
0x7a: {  	v19 =	vor.u32 $0x3, v20;
	v21 =	vperm.xlane v12, v21;
	v22 =	vsel vm0, $0x1, v11  }
.Ltmp2:
0x7b: {  	v19 =	vperm.xlane v12, v19;
	v18 =	vor.u32 v22, v18;
	(pc) =	sbr.rel @p1 .LBB2_6-.Ltmp2, $4  }
0x7c: {  	s12 =	sadd.s32 $0x10, s12;
	vm0 =	vlt.s32 v16, v21;
	v21 =	vor.u32 $0x2, v15;
	v22 =	vshll.u32 v18, $0x7  }
0x7d: {  	s13 =	sshra.s32 s10, $0x2;
	s10 =	smov.u32 s11;
	s11 =	smov.u32 s22;
	v18 =	vsel vm0, v15, v21;
	v15 =	vadd.s32 v14, v22;
	v14 =	vmovc v16;
	v16 =	vmovc v17;
	v17 =	vor.u32 s12, v0  }
0x7e: {  	s22 =	smov.u32 s23;
	v21 =	vor.u32 $0x4, v20;
	vm1 =	vlt.s32 v16, v19;
	v19 =	vperm.xlane v12, v18;
	[tilespmem:s13+$0x600] =	vst v15  }
0x7f: {  	s23 =	sadd.s32 $0x40, s23;
	vm0 =	vlt.s32 v17, v13;
	v15 =	vsel vm1, v20, v21  }
0x80: {  	v20 =	vsel vm0, $0x0, v10  }
0x81: {  	v21 =	vor.u32 $0x3, v20  }
0x82: {  	v21 =	vperm.xlane v12, v21;
	_ =	sdelay $0x1  }
0x83: {  	v56 =	vor.u32 $0x4, v20;
	vm0 =	vlt.s32 v17, v21  }
0x84: {  	v22 =	vor.u32 $0x1, v15;
	v20 =	vsel vm0, v20, v56  }
0x85: {  	v22 =	vperm.xlane v12, v22;
	v21 =	vor.u32 $0x1, v20  }
0x86: {  	vm1 =	vge.s32 v14, v19;
	v21 =	vperm.xlane v12, v21  }
0x87: {  	v57 =	vor.u32 $0x2, v15;
	v58 =	vsel vm1, $0x1, v11;
	vm0 =	vlt.s32 v16, v22  }
0x88: {  	v19 =	vsel vm0, v15, v57;
	v15 =	vor.u32 $0x2, v20;
	vm0 =	vlt.s32 v17, v21  }
0x89: {  	v22 =	vperm.xlane v12, v19;
	v20 =	vsel vm0, v20, v15;
	v15 =	vor.u32 s17, v0  }
0x8a: {  	v18 =	vor.u32 v58, v18;
	vm1 =	vlt.s32 v15, v13  }
0x8b: {  	v18 =	vshll.u32 v18, $0x7;
	vm0 =	vge.s32 v16, v22;
	v23 =	vsel vm1, $0x0, v10  }
0x8c: {  	v59 =	vperm.xlane v12, v20;
	v60 =	vsel vm0, $0x1, v11;
	v61 =	vor.u32 $0x3, v23  }
0x8d: {  	v18 =	vadd.s32 v14, v18;
	v19 =	vor.u32 v60, v19;
	v21 =	vperm.xlane v12, v61  }
0x8e: {  	vm0 =	vge.s32 v17, v59;
	v19 =	vshll.u32 v19, $0x7;
	v62 =	vor.u32 $0x4, v23  }
0x8f: {  	s12 =	sadd.s32 $0x10, s17;
	v16 =	vadd.s32 v16, v19;
	v19 =	vsel vm0, $0x1, v11;
	vm0 =	vlt.s32 v15, v21  }
0x90: {  	s10 =	sshra.s32 s10, $0x2;
	v14 =	vor.u32 s12, v0;
	v19 =	vor.u32 v19, v20;
	v20 =	vsel vm0, v23, v62  }
0x91: {  	s13 =	sshra.s32 s11, $0x2;
	[tilespmem:s10+$0x600] =	vst v18;
	v18 =	vshll.u32 v19, $0x7;
	vm0 =	vlt.s32 v14, v13;
	v19 =	vor.u32 $0x1, v20  }
0x92: {  	[tilespmem:s13+$0x600] =	vst v16;
	v16 =	vadd.s32 v17, v18;
	v63 =	vsel vm0, $0x0, v10;
	v18 =	vperm.xlane v12, v19  }
0x93: {  	v17 =	vor.u32 $0x3, v63  }
0x94: {  	s23 =	sshra.s32 s22, $0x2;
	s12 =	sadd.s32 $0x10, s12;
	v19 =	vperm.xlane v12, v17;
	v17 =	vor.u32 $0x2, v20;
	vm0 =	vlt.s32 v15, v18  }
0x95: {  	s22 =	simm.s32 $0x0;
	[tilespmem:s23+$0x600] =	vst v16;
	v16 =	vor.u32 s12, v0;
	v17 =	vsel vm0, v20, v17  }
0x96: {  	s11 =	simm.s32 $0x80;
	s10 =	simm.s32 $0x40;
	s23 =	simm.s32 $0xC0;
	v18 =	vor.u32 $0x4, v63;
	vm1 =	vlt.s32 v14, v19;
	v19 =	vperm.xlane v12, v17  }
0x97: {  	[tilespmem:s2], [sflag:$0x2] =	stream.indirect.gather [hbm4b:s1+s30], $0x80, s30, s30, $0xb8;
	vm0 =	vlt.s32 v16, v13;
	v18 =	vsel vm1, v63, v18;
	[tilespmem:$0x12E00] =	vst v63  }
.LBB2_8:
0x98: {  	p1 =	sne.s32 s23, $0x1C0;
	v20 =	vsel vm0, $0x0, v10;
	v21 =	vor.u32 $0x1, v18;
	vm0 =	vge.s32 v15, v19  }
0x99: {  	v19 =	vor.u32 $0x3, v20;
	v21 =	vperm.xlane v12, v21;
	v22 =	vsel vm0, $0x1, v11  }
.Ltmp3:
0x9a: {  	v19 =	vperm.xlane v12, v19;
	v17 =	vor.u32 v22, v17;
	(pc) =	sbr.rel @p1 .LBB2_8-.Ltmp3, $4  }
0x9b: {  	s12 =	sadd.s32 $0x10, s12;
	vm0 =	vlt.s32 v14, v21;
	v21 =	vor.u32 $0x2, v18;
	v22 =	vshll.u32 v17, $0x7  }
0x9c: {  	s13 =	sshra.s32 s22, $0x2;
	s22 =	smov.u32 s10;
	s10 =	smov.u32 s11;
	v17 =	vsel vm0, v18, v21;
	v18 =	vadd.s32 v15, v22;
	v15 =	vmovc v14;
	v14 =	vmovc v16;
	v16 =	vor.u32 s12, v0  }
0x9d: {  	s11 =	smov.u32 s23;
	v21 =	vor.u32 $0x4, v20;
	vm1 =	vlt.s32 v14, v19;
	v19 =	vperm.xlane v12, v17;
	[tilespmem:s13+$0x680] =	vst v18  }
0x9e: {  	s23 =	sadd.s32 $0x40, s23;
	vm0 =	vlt.s32 v16, v13;
	v18 =	vsel vm1, v20, v21  }
0x9f: {  	v20 =	vsel vm0, $0x0, v10  }
0xa0: {  	v21 =	vor.u32 $0x3, v20  }
0xa1: {  	v21 =	vperm.xlane v12, v21;
	_ =	sdelay $0x1  }
0xa2: {  	v22 =	vor.u32 $0x1, v18;
	v61 =	vor.u32 $0x4, v20;
	vm0 =	vlt.s32 v16, v21  }
0xa3: {  	v22 =	vperm.xlane v12, v22;
	v20 =	vsel vm0, v20, v61  }
0xa4: {  	v21 =	vor.u32 $0x1, v20  }
0xa5: {  	v62 =	vor.u32 $0x2, v18;
	vm0 =	vlt.s32 v14, v22;
	v21 =	vperm.xlane v12, v21  }
0xa6: {  	v18 =	vsel vm0, v18, v62;
	vm0 =	vge.s32 v15, v19  }
0xa7: {  	v63 =	vor.u32 $0x2, v20;
	v19 =	vsel vm0, $0x1, v11;
	vm0 =	vlt.s32 v16, v21  }
0xa8: {  	v17 =	vor.u32 v19, v17;
	v19 =	vperm.xlane v12, v18;
	v20 =	vsel vm0, v20, v63  }
0xa9: {  	v17 =	vshll.u32 v17, $0x7;
	v21 =	vperm.xlane v12, v20  }
0xaa: {  	v17 =	vadd.s32 v15, v17;
	vm0 =	vge.s32 v14, v19  }
0xab: {  	v15 =	vor.u32 s18, v0;
	v19 =	vsel vm0, $0x1, v11;
	vm0 =	vge.s32 v16, v21  }
0xac: {  	v18 =	vor.u32 v19, v18;
	v19 =	vsel vm0, $0x1, v11;
	vm0 =	vlt.s32 v15, v13  }
0xad: {  	s12 =	sshra.s32 s22, $0x2;
	v18 =	vshll.u32 v18, $0x7;
	v19 =	vor.u32 v19, v20;
	v20 =	vsel vm0, $0x0, v10  }
0xae: {  	s10 =	sshra.s32 s10, $0x2;
	[tilespmem:s12+$0x680] =	vst v17;
	v14 =	vadd.s32 v14, v18;
	v17 =	vshll.u32 v19, $0x7;
	v18 =	vor.u32 $0x3, v20  }
0xaf: {  	[tilespmem:s10+$0x680] =	vst v14;
	v14 =	vadd.s32 v16, v17;
	v17 =	vperm.xlane v12, v18  }
0xb0: {  	s13 =	sadd.s32 $0x10, s18;
	s12 =	sshra.s32 s11, $0x2  }
0xb1: {  	v16 =	vor.u32 s13, v0;
	[tilespmem:s12+$0x680] =	vst v14;
	v14 =	vor.u32 $0x4, v20;
	vm0 =	vlt.s32 v15, v17  }
0xb2: {  	vm1 =	vlt.s32 v16, v13;
	v14 =	vsel vm0, v20, v14  }
0xb3: {  	_ =	swait.ge [sflag:s7], $0x4000;
	v18 =	vsel vm1, $0x0, v10;
	v17 =	vor.u32 $0x1, v14  }
0xb4: {  	[sflag:s7] =	ssyncset.done $0x0;
	v19 =	vor.u32 $0x3, v18;
	v17 =	vperm.xlane v12, v17  }
0xb5: {  	s22 =	simm.s32 $0x500;
	[sflag:s7] =	ssyncadd.s32 $0xFFFFC000;
	v19 =	vperm.xlane v12, v19  }
0xb6: {  	v20 =	vor.u32 $0x2, v14;
	[hbm4b:s3+s30] =	stream.indirect.scatter [tilespmem:s31], [sflag:$0x3], $0x80, s22, s30, $0xb8;
	vm0 =	vlt.s32 v15, v17;
	[tilespmem:$0x12E00] =	vst v63  }
0xb7: {  	s23 =	simm.s32 $0x100;
	s11 =	simm.s32 $0x80;
	s12 =	sadd.s32 $0x10, s13;
	vm1 =	vlt.s32 v16, v19;
	v14 =	vsel vm0, v14, v20  }
0xb8: {  	[tilespmem:s5], [sflag:$0x2] =	stream.indirect.gather [hbm4b:s1+s30], $0x80, s23, s30, $0xb8;
	v17 =	vor.u32 s12, v0;
	v20 =	vor.u32 $0x4, v18;
	v19 =	vperm.xlane v12, v14;
	[tilespmem:$0x12E00] =	vst v63  }
0xb9: {  	s10 =	simm.s32 $0x40;
	s22 =	simm.s32 $0x0;
	s23 =	simm.s32 $0xC0;
	vm0 =	vlt.s32 v17, v13;
	v18 =	vsel vm1, v18, v20  }
.LBB2_10:
0xba: {  	p1 =	sne.s32 s23, $0x1C0;
	v20 =	vsel vm0, $0x0, v10;
	v21 =	vor.u32 $0x1, v18;
	vm0 =	vge.s32 v15, v19  }
0xbb: {  	v19 =	vor.u32 $0x3, v20;
	v21 =	vperm.xlane v12, v21;
	v22 =	vsel vm0, $0x1, v11  }
.Ltmp4:
0xbc: {  	v19 =	vperm.xlane v12, v19;
	v14 =	vor.u32 v22, v14;
	(pc) =	sbr.rel @p1 .LBB2_10-.Ltmp4, $4  }
0xbd: {  	s12 =	sadd.s32 $0x10, s12;
	vm0 =	vlt.s32 v16, v21;
	v21 =	vor.u32 $0x2, v18;
	v22 =	vshll.u32 v14, $0x7  }
0xbe: {  	s13 =	sshra.s32 s22, $0x2;
	s22 =	smov.u32 s10;
	s10 =	smov.u32 s11;
	v14 =	vsel vm0, v18, v21;
	v18 =	vadd.s32 v15, v22;
	v15 =	vmovc v16;
	v16 =	vmovc v17;
	v17 =	vor.u32 s12, v0  }
0xbf: {  	s11 =	smov.u32 s23;
	v21 =	vor.u32 $0x4, v20;
	vm1 =	vlt.s32 v16, v19;
	v19 =	vperm.xlane v12, v14;
	[tilespmem:s13+$0x700] =	vst v18  }
0xc0: {  	s23 =	sadd.s32 $0x40, s23;
	vm0 =	vlt.s32 v17, v13;
	v18 =	vsel vm1, v20, v21  }
0xc1: {  	v20 =	vsel vm0, $0x0, v10  }
0xc2: {  	v21 =	vor.u32 $0x3, v20  }
0xc3: {  	v21 =	vperm.xlane v12, v21;
	_ =	sdelay $0x1  }
0xc4: {  	v22 =	vor.u32 $0x1, v18;
	v61 =	vor.u32 $0x4, v20;
	vm0 =	vlt.s32 v17, v21  }
0xc5: {  	v22 =	vperm.xlane v12, v22;
	v20 =	vsel vm0, v20, v61  }
0xc6: {  	v21 =	vor.u32 $0x1, v20  }
0xc7: {  	v62 =	vor.u32 $0x2, v18;
	vm0 =	vlt.s32 v16, v22;
	v21 =	vperm.xlane v12, v21  }
0xc8: {  	v18 =	vsel vm0, v18, v62;
	vm0 =	vge.s32 v15, v19  }
0xc9: {  	v63 =	vor.u32 $0x2, v20;
	v19 =	vsel vm0, $0x1, v11;
	vm0 =	vlt.s32 v17, v21  }
0xca: {  	v14 =	vor.u32 v19, v14;
	v19 =	vperm.xlane v12, v18;
	v20 =	vsel vm0, v20, v63  }
0xcb: {  	v14 =	vshll.u32 v14, $0x7;
	v21 =	vperm.xlane v12, v20  }
0xcc: {  	v15 =	vadd.s32 v15, v14;
	vm0 =	vge.s32 v16, v19  }
0xcd: {  	v14 =	vor.u32 s19, v0;
	v19 =	vsel vm0, $0x1, v11;
	vm0 =	vge.s32 v17, v21  }
0xce: {  	v18 =	vor.u32 v19, v18;
	v19 =	vsel vm0, $0x1, v11;
	vm0 =	vlt.s32 v14, v13  }
0xcf: {  	s12 =	sshra.s32 s22, $0x2;
	v18 =	vshll.u32 v18, $0x7;
	v19 =	vor.u32 v19, v20;
	v20 =	vsel vm0, $0x0, v10  }
0xd0: {  	s10 =	sshra.s32 s10, $0x2;
	[tilespmem:s12+$0x700] =	vst v15;
	v15 =	vadd.s32 v16, v18;
	v16 =	vshll.u32 v19, $0x7;
	v18 =	vor.u32 $0x3, v20  }
0xd1: {  	[tilespmem:s10+$0x700] =	vst v15;
	v15 =	vadd.s32 v17, v16;
	v16 =	vperm.xlane v12, v18;
	_ =	sdelay $0x1  }
0xd2: {  	s13 =	sadd.s32 $0x10, s19;
	s12 =	sshra.s32 s11, $0x2;
	vm0 =	vlt.s32 v14, v16;
	v16 =	vor.u32 $0x4, v20  }
0xd3: {  	[tilespmem:s12+$0x700] =	vst v15;
	v15 =	vor.u32 s13, v0;
	v17 =	vsel vm0, v20, v16  }
0xd4: {  	_ =	swait.ge [sflag:s7], $0x4000;
	vm1 =	vlt.s32 v15, v13;
	v16 =	vor.u32 $0x1, v17  }
0xd5: {  	[sflag:s7] =	ssyncset.done $0x0;
	v18 =	vsel vm1, $0x0, v10;
	v16 =	vperm.xlane v12, v16  }
0xd6: {  	s22 =	simm.s32 $0x580;
	s12 =	sadd.s32 $0x10, s13;
	[sflag:s7] =	ssyncadd.s32 $0xFFFFC000;
	v19 =	vor.u32 $0x3, v18  }
0xd7: {  	v20 =	vor.u32 $0x2, v17;
	[hbm4b:s3+s30] =	stream.indirect.scatter [tilespmem:s2], [sflag:$0x3], $0x80, s22, s30, $0xb8;
	v19 =	vperm.xlane v12, v19;
	vm0 =	vlt.s32 v14, v16;
	[tilespmem:$0x12E00] =	vst v63  }
0xd8: {  	s23 =	simm.s32 $0x180;
	s11 =	simm.s32 $0x80;
	v16 =	vor.u32 s12, v0;
	v17 =	vsel vm0, v17, v20  }
0xd9: {  	[tilespmem:s0], [sflag:$0x2] =	stream.indirect.gather [hbm4b:s1+s30], $0x80, s23, s30, $0xb8;
	vm1 =	vlt.s32 v15, v19;
	v20 =	vor.u32 $0x4, v18;
	v19 =	vperm.xlane v12, v17;
	[tilespmem:$0x12E00] =	vst v63  }
0xda: {  	s10 =	simm.s32 $0x40;
	s22 =	simm.s32 $0x0;
	s23 =	simm.s32 $0xC0;
	vm0 =	vlt.s32 v16, v13;
	v18 =	vsel vm1, v18, v20  }
.LBB2_12:
0xdb: {  	p1 =	sne.s32 s23, $0x1C0;
	v20 =	vsel vm0, $0x0, v10;
	v21 =	vor.u32 $0x1, v18;
	vm0 =	vge.s32 v14, v19  }
0xdc: {  	v19 =	vor.u32 $0x3, v20;
	v21 =	vperm.xlane v12, v21;
	v22 =	vsel vm0, $0x1, v11  }
.Ltmp5:
0xdd: {  	v19 =	vperm.xlane v12, v19;
	v17 =	vor.u32 v22, v17;
	(pc) =	sbr.rel @p1 .LBB2_12-.Ltmp5, $4  }
0xde: {  	s12 =	sadd.s32 $0x10, s12;
	vm0 =	vlt.s32 v15, v21;
	v21 =	vor.u32 $0x2, v18;
	v22 =	vshll.u32 v17, $0x7  }
0xdf: {  	s13 =	sshra.s32 s22, $0x2;
	s22 =	smov.u32 s10;
	s10 =	smov.u32 s11;
	v17 =	vsel vm0, v18, v21;
	v18 =	vadd.s32 v14, v22;
	v14 =	vmovc v15;
	v15 =	vmovc v16;
	v16 =	vor.u32 s12, v0  }
0xe0: {  	s11 =	smov.u32 s23;
	v21 =	vor.u32 $0x4, v20;
	vm1 =	vlt.s32 v15, v19;
	v19 =	vperm.xlane v12, v17;
	[tilespmem:s13+$0x780] =	vst v18  }
0xe1: {  	s23 =	sadd.s32 $0x40, s23;
	vm0 =	vlt.s32 v16, v13;
	v18 =	vsel vm1, v20, v21  }
0xe2: {  	v20 =	vsel vm0, $0x0, v10  }
0xe3: {  	v21 =	vor.u32 $0x3, v20  }
0xe4: {  	v21 =	vperm.xlane v12, v21;
	_ =	sdelay $0x1  }
0xe5: {  	v57 =	vor.u32 $0x4, v20;
	vm0 =	vlt.s32 v16, v21  }
0xe6: {  	v22 =	vor.u32 $0x1, v18;
	v20 =	vsel vm0, v20, v57  }
0xe7: {  	v58 =	vperm.xlane v12, v22;
	v59 =	vor.u32 $0x1, v20  }
0xe8: {  	v22 =	vperm.xlane v12, v59  }
0xe9: {  	v60 =	vor.u32 $0x2, v18;
	vm0 =	vlt.s32 v15, v58  }
0xea: {  	v18 =	vsel vm0, v18, v60;
	v61 =	vor.u32 $0x2, v20;
	vm0 =	vlt.s32 v16, v22  }
0xeb: {  	vm1 =	vge.s32 v14, v19;
	v19 =	vsel vm0, v20, v61;
	v20 =	vperm.xlane v12, v18  }
0xec: {  	v62 =	vsel vm1, $0x1, v11;
	v63 =	vperm.xlane v12, v19  }
0xed: {  	v17 =	vor.u32 v62, v17;
	vm0 =	vge.s32 v15, v20  }
0xee: {  	v17 =	vshll.u32 v17, $0x7;
	v20 =	vsel vm0, $0x1, v11;
	vm0 =	vge.s32 v16, v63  }
0xef: {  	v17 =	vadd.s32 v14, v17;
	v14 =	vor.u32 v20, v18;
	v18 =	vsel vm0, $0x1, v11  }
0xf0: {  	s12 =	sshra.s32 s22, $0x2;
	v20 =	vshll.u32 v14, $0x7;
	v18 =	vor.u32 v18, v19;
	v14 =	vor.u32 s20, v0  }
0xf1: {  	s10 =	sshra.s32 s10, $0x2;
	[tilespmem:s12+$0x780] =	vst v17;
	v15 =	vadd.s32 v15, v20;
	v17 =	vshll.u32 v18, $0x7;
	vm0 =	vlt.s32 v14, v13  }
0xf2: {  	s12 =	sshra.s32 s11, $0x2;
	[tilespmem:s10+$0x780] =	vst v15;
	v15 =	vadd.s32 v16, v17;
	v16 =	vsel vm0, $0x0, v10  }
0xf3: {  	[tilespmem:s12+$0x780] =	vst v15;
	v15 =	vor.u32 $0x3, v16  }
0xf4: {  	v17 =	vperm.xlane v12, v15  }
0xf5: {  	s13 =	sadd.s32 $0x10, s20  }
0xf6: {  	_ =	swait.ge [sflag:s7], $0x4000;
	v15 =	vor.u32 s13, v0;
	vm0 =	vlt.s32 v14, v17;
	v17 =	vor.u32 $0x4, v16  }
0xf7: {  	[sflag:s7] =	ssyncset.done $0x0;
	vm1 =	vlt.s32 v15, v13;
	v17 =	vsel vm0, v16, v17  }
0xf8: {  	s22 =	simm.s32 $0x600;
	[sflag:s7] =	ssyncadd.s32 $0xFFFFC000;
	v18 =	vsel vm1, $0x0, v10;
	v16 =	vor.u32 $0x1, v17  }
0xf9: {  	[hbm4b:s3+s30] =	stream.indirect.scatter [tilespmem:s5], [sflag:$0x3], $0x80, s22, s30, $0xb8;
	v19 =	vor.u32 $0x3, v18;
	v16 =	vperm.xlane v12, v16;
	[tilespmem:$0x12E00] =	vst v63  }
0xfa: {  	_ =	swait.ge [sflag:s6], $0x4000;
	v19 =	vperm.xlane v12, v19  }
0xfb: {  	s23 =	simm.s32 $0x200;
	v20 =	vor.u32 $0x2, v17;
	[sflag:s6] =	ssyncset.done $0x0;
	vm0 =	vlt.s32 v14, v16  }
0xfc: {  	s11 =	simm.s32 $0x80;
	s12 =	sadd.s32 $0x10, s13;
	[sflag:s6] =	ssyncadd.s32 $0xFFFFC000;
	vm1 =	vlt.s32 v15, v19;
	v17 =	vsel vm0, v17, v20  }
0xfd: {  	[tilespmem:s31], [sflag:$0x2] =	stream.indirect.gather [hbm4b:s1+s30], $0x80, s23, s30, $0xb8;
	v16 =	vor.u32 s12, v0;
	v20 =	vor.u32 $0x4, v18;
	v19 =	vperm.xlane v12, v17;
	[tilespmem:$0x12E00] =	vst v63  }
0xfe: {  	s10 =	simm.s32 $0x40;
	s22 =	simm.s32 $0x0;
	s23 =	simm.s32 $0xC0;
	vm0 =	vlt.s32 v16, v13;
	v18 =	vsel vm1, v18, v20  }
.LBB2_14:
0xff: {  	p1 =	sne.s32 s23, $0x1C0;
	v20 =	vsel vm0, $0x0, v10;
	v21 =	vor.u32 $0x1, v18;
	vm0 =	vge.s32 v14, v19  }
0x100: {  	v19 =	vor.u32 $0x3, v20;
	v21 =	vperm.xlane v12, v21;
	v22 =	vsel vm0, $0x1, v11  }
.Ltmp6:
0x101: {  	v19 =	vperm.xlane v12, v19;
	v17 =	vor.u32 v22, v17;
	(pc) =	sbr.rel @p1 .LBB2_14-.Ltmp6, $4  }
0x102: {  	s12 =	sadd.s32 $0x10, s12;
	vm0 =	vlt.s32 v15, v21;
	v21 =	vor.u32 $0x2, v18;
	v22 =	vshll.u32 v17, $0x7  }
0x103: {  	s13 =	sshra.s32 s22, $0x2;
	s22 =	smov.u32 s10;
	s10 =	smov.u32 s11;
	v17 =	vsel vm0, v18, v21;
	v18 =	vadd.s32 v14, v22;
	v14 =	vmovc v15;
	v15 =	vmovc v16;
	v16 =	vor.u32 s12, v0  }
0x104: {  	s11 =	smov.u32 s23;
	v21 =	vor.u32 $0x4, v20;
	vm1 =	vlt.s32 v15, v19;
	v19 =	vperm.xlane v12, v17;
	[tilespmem:s13+$0x800] =	vst v18  }
0x105: {  	s23 =	sadd.s32 $0x40, s23;
	vm0 =	vlt.s32 v16, v13;
	v18 =	vsel vm1, v20, v21  }
0x106: {  	v20 =	vsel vm0, $0x0, v10  }
0x107: {  	v21 =	vor.u32 $0x3, v20  }
0x108: {  	v21 =	vperm.xlane v12, v21;
	_ =	sdelay $0x1  }
0x109: {  	v57 =	vor.u32 $0x4, v20;
	vm0 =	vlt.s32 v16, v21  }
0x10a: {  	v22 =	vor.u32 $0x1, v18;
	v20 =	vsel vm0, v20, v57  }
0x10b: {  	v58 =	vperm.xlane v12, v22;
	v59 =	vor.u32 $0x1, v20  }
0x10c: {  	v22 =	vperm.xlane v12, v59  }
0x10d: {  	v60 =	vor.u32 $0x2, v18;
	vm0 =	vlt.s32 v15, v58  }
0x10e: {  	v18 =	vsel vm0, v18, v60;
	v61 =	vor.u32 $0x2, v20;
	vm0 =	vlt.s32 v16, v22  }
0x10f: {  	vm1 =	vge.s32 v14, v19;
	v19 =	vsel vm0, v20, v61;
	v20 =	vperm.xlane v12, v18  }
0x110: {  	v62 =	vsel vm1, $0x1, v11;
	v63 =	vperm.xlane v12, v19  }
0x111: {  	v17 =	vor.u32 v62, v17;
	vm0 =	vge.s32 v15, v20  }
0x112: {  	v17 =	vshll.u32 v17, $0x7;
	v20 =	vsel vm0, $0x1, v11;
	vm0 =	vge.s32 v16, v63  }
0x113: {  	v17 =	vadd.s32 v14, v17;
	v14 =	vor.u32 v20, v18;
	v18 =	vsel vm0, $0x1, v11  }
0x114: {  	s12 =	sshra.s32 s22, $0x2;
	v20 =	vshll.u32 v14, $0x7;
	v18 =	vor.u32 v18, v19;
	v14 =	vor.u32 s21, v0  }
0x115: {  	s10 =	sshra.s32 s10, $0x2;
	[tilespmem:s12+$0x800] =	vst v17;
	v15 =	vadd.s32 v15, v20;
	v17 =	vshll.u32 v18, $0x7;
	vm0 =	vlt.s32 v14, v13  }
0x116: {  	s12 =	sshra.s32 s11, $0x2;
	[tilespmem:s10+$0x800] =	vst v15;
	v15 =	vadd.s32 v16, v17;
	v16 =	vsel vm0, $0x0, v10  }
0x117: {  	[tilespmem:s12+$0x800] =	vst v15;
	v15 =	vor.u32 $0x3, v16  }
0x118: {  	v17 =	vperm.xlane v12, v15  }
0x119: {  	s13 =	sadd.s32 $0x10, s21  }
0x11a: {  	_ =	swait.ge [sflag:s7], $0x4000;
	v15 =	vor.u32 s13, v0;
	vm0 =	vlt.s32 v14, v17;
	v17 =	vor.u32 $0x4, v16  }
0x11b: {  	[sflag:s7] =	ssyncset.done $0x0;
	vm1 =	vlt.s32 v15, v13;
	v17 =	vsel vm0, v16, v17  }
0x11c: {  	s22 =	simm.s32 $0x680;
	[sflag:s7] =	ssyncadd.s32 $0xFFFFC000;
	v18 =	vsel vm1, $0x0, v10;
	v16 =	vor.u32 $0x1, v17  }
0x11d: {  	[hbm4b:s3+s30] =	stream.indirect.scatter [tilespmem:s0], [sflag:$0x3], $0x80, s22, s30, $0xb8;
	v19 =	vor.u32 $0x3, v18;
	v16 =	vperm.xlane v12, v16;
	[tilespmem:$0x12E00] =	vst v63  }
0x11e: {  	_ =	swait.ge [sflag:s6], $0x4000;
	v19 =	vperm.xlane v12, v19  }
0x11f: {  	s23 =	simm.s32 $0x280;
	v20 =	vor.u32 $0x2, v17;
	[sflag:s6] =	ssyncset.done $0x0;
	vm0 =	vlt.s32 v14, v16  }
0x120: {  	s11 =	simm.s32 $0x80;
	s12 =	sadd.s32 $0x10, s13;
	[sflag:s6] =	ssyncadd.s32 $0xFFFFC000;
	vm1 =	vlt.s32 v15, v19;
	v17 =	vsel vm0, v17, v20  }
0x121: {  	[tilespmem:s2], [sflag:$0x2] =	stream.indirect.gather [hbm4b:s1+s30], $0x80, s23, s30, $0xb8;
	v16 =	vor.u32 s12, v0;
	v20 =	vor.u32 $0x4, v18;
	v19 =	vperm.xlane v12, v17;
	[tilespmem:$0x12E00] =	vst v63  }
0x122: {  	s10 =	simm.s32 $0x40;
	s22 =	simm.s32 $0x0;
	s23 =	simm.s32 $0xC0;
	vm0 =	vlt.s32 v16, v13;
	v18 =	vsel vm1, v18, v20  }
.LBB2_16:
0x123: {  	p1 =	sne.s32 s23, $0x1C0;
	v20 =	vsel vm0, $0x0, v10;
	v21 =	vor.u32 $0x1, v18;
	vm0 =	vge.s32 v14, v19  }
0x124: {  	v19 =	vor.u32 $0x3, v20;
	v21 =	vperm.xlane v12, v21;
	v22 =	vsel vm0, $0x1, v11  }
.Ltmp7:
0x125: {  	v19 =	vperm.xlane v12, v19;
	v17 =	vor.u32 v22, v17;
	(pc) =	sbr.rel @p1 .LBB2_16-.Ltmp7, $4  }
0x126: {  	s12 =	sadd.s32 $0x10, s12;
	vm0 =	vlt.s32 v15, v21;
	v21 =	vor.u32 $0x2, v18;
	v22 =	vshll.u32 v17, $0x7  }
0x127: {  	s13 =	sshra.s32 s22, $0x2;
	s22 =	smov.u32 s10;
	s10 =	smov.u32 s11;
	v17 =	vsel vm0, v18, v21;
	v18 =	vadd.s32 v14, v22;
	v14 =	vmovc v15;
	v15 =	vmovc v16;
	v16 =	vor.u32 s12, v0  }
0x128: {  	s11 =	smov.u32 s23;
	v21 =	vor.u32 $0x4, v20;
	vm1 =	vlt.s32 v15, v19;
	v19 =	vperm.xlane v12, v17;
	[tilespmem:s13+$0x880] =	vst v18  }
0x129: {  	s23 =	sadd.s32 $0x40, s23;
	vm0 =	vlt.s32 v16, v13;
	v18 =	vsel vm1, v20, v21  }
0x12a: {  	v13 =	vsel vm0, $0x0, v10  }
0x12b: {  	v20 =	vor.u32 $0x3, v13  }
0x12c: {  	v20 =	vperm.xlane v12, v20;
	_ =	sdelay $0x1  }
0x12d: {  	v53 =	vor.u32 $0x4, v13;
	vm10 =	vlt.s32 v16, v20  }
0x12e: {  	v21 =	vor.u32 $0x1, v18;
	v13 =	vsel vm10, v13, v53  }
0x12f: {  	v54 =	vperm.xlane v12, v21;
	v55 =	vor.u32 $0x1, v13  }
0x130: {  	v21 =	vperm.xlane v12, v55  }
0x131: {  	v56 =	vor.u32 $0x2, v18;
	vm11 =	vlt.s32 v15, v54  }
0x132: {  	v18 =	vsel vm11, v18, v56;
	v57 =	vor.u32 $0x2, v13;
	vm12 =	vlt.s32 v16, v21  }
0x133: {  	v58 =	vperm.xlane v12, v18;
	v13 =	vsel vm12, v13, v57  }
0x134: {  	vm13 =	vge.s32 v14, v19;
	v59 =	vperm.xlane v12, v13  }
0x135: {  	v60 =	vsel vm13, $0x1, v11;
	vm14 =	vge.s32 v15, v58  }
0x136: {  	v17 =	vor.u32 v60, v17;
	v20 =	vsel vm14, $0x1, v11;
	vm15 =	vge.s32 v16, v59  }
0x137: {  	v17 =	vshll.u32 v17, $0x7;
	v18 =	vor.u32 v20, v18;
	v19 =	vsel vm15, $0x1, v11  }
0x138: {  	s12 =	sshra.s32 s22, $0x2;
	v61 =	vadd.s32 v14, v17;
	v62 =	vshll.u32 v18, $0x7;
	v13 =	vor.u32 v19, v13  }
0x139: {  	s10 =	sshra.s32 s10, $0x2;
	[tilespmem:s12+$0x880] =	vst v61;
	v63 =	vadd.s32 v15, v62;
	v13 =	vshll.u32 v13, $0x7  }
0x13a: {  	s11 =	sshra.s32 s11, $0x2;
	[tilespmem:s10+$0x880] =	vst v63;
	v13 =	vadd.s32 v16, v13  }
0x13b: {  	[tilespmem:s11+$0x880] =	vst v13  }
0x13c: {  	_ =	swait.ge [sflag:s7], $0x4000  }
0x13d: {  	[sflag:s7] =	ssyncset.done $0x0  }
0x13e: {  	s12 =	simm.s32 $0x700;
	[sflag:s7] =	ssyncadd.s32 $0xFFFFC000  }
0x13f: {  	[hbm4b:s3+s30] =	stream.indirect.scatter [tilespmem:s31], [sflag:$0x3], $0x80, s12, s30, $0xb8;
	[tilespmem:$0x12E00] =	vst v63  }
0x140: {  	_ =	swait.ge [sflag:s6], $0x4000  }
0x141: {  	[sflag:s6] =	ssyncset.done $0x0  }
0x142: {  	s13 =	simm.s32 $0x300;
	[sflag:s6] =	ssyncadd.s32 $0xFFFFC000  }
0x143: {  	[tilespmem:s5], [sflag:$0x2] =	stream.indirect.gather [hbm4b:s1+s30], $0x80, s13, s30, $0xb8;
	[tilespmem:$0x12E00] =	vst v63  }
0x144: {  	_ =	swait.ge [sflag:s7], $0x4000  }
0x145: {  	[sflag:s7] =	ssyncset.done $0x0  }
0x146: {  	s22 =	simm.s32 $0x780;
	[sflag:s7] =	ssyncadd.s32 $0xFFFFC000  }
0x147: {  	[hbm4b:s3+s30] =	stream.indirect.scatter [tilespmem:s2], [sflag:$0x3], $0x80, s22, s30, $0xb8;
	[tilespmem:$0x12E00] =	vst v63  }
0x148: {  	_ =	swait.ge [sflag:s6], $0x4000  }
0x149: {  	[sflag:s6] =	ssyncset.done $0x0  }
0x14a: {  	s23 =	simm.s32 $0x380;
	[sflag:s6] =	ssyncadd.s32 $0xFFFFC000  }
0x14b: {  	[tilespmem:s0], [sflag:$0x2] =	stream.indirect.gather [hbm4b:s1+s30], $0x80, s23, s30, $0xb8;
	[tilespmem:$0x12E00] =	vst v63  }
0x14c: {  	v13 =	vimm.s32 @!p0 $0xEDCBA987;
	_ =	swait.ge [sflag:s7], $0x4000  }
0x14d: {  	v14 =	vimm.s32 @!p0 $0x65432100;
	v13 =	vunpack.c.l.s4.s8 @!p0 v13;
	[sflag:s7] =	ssyncset.done $0x0  }
0x14e: {  	v14 =	vunpack.c.l.s4.s8 @!p0 v14;
	s11 =	simm.s32 $0x800;
	[sflag:s7] =	ssyncadd.s32 $0xFFFFC000  }
0x14f: {  	v13 =	vunpack.c.0.s8.s32 @!p0 v13;
	[hbm4b:s3+s30] =	stream.indirect.scatter [tilespmem:s5], [sflag:$0x3], $0x80, s11, s30, $0xb8;
	[tilespmem:$0x12E00] =	vst v63  }
0x150: {  	v14 =	vunpack.c.0.s8.s32 @!p0 v14;
	_ =	swait.ge [sflag:s7], $0x4000  }
0x151: {  	v13 =	vand.u32 @!p0 $0xF, v13;
	[sflag:s7] =	ssyncset.done $0x0  }
0x152: {  	s12 =	simm.s32 $0x880;
	v13 =	vcombine.low @!p0 v14, v13;
	[sflag:s7] =	ssyncadd.s32 $0xFFFFC000  }
0x153: {  	[hbm4b:s3+s30] =	stream.indirect.scatter [tilespmem:s0], [sflag:$0x3], $0x80, s12, s30, $0xb8;
	[tilespmem:$0x12E00] =	vst v63  }
0x154: {  	v14 =	vlaneseq.u32 @!p0;
	v13 =	vperm.xlane @!p0 v12, v13;
	_ =	swait.ge [sflag:s4], $0x2000  }
0x155: {  	vm0 =	veq.s32 @!p0 v14, $0x0;
	[sflag:s4] =	ssyncset.done $0x0  }
0x156: {  	s13 =	simm.s32 $0x900;
	v13 =	vsel @!p0 vm0, $0x0, v13;
	[sflag:s4] =	ssyncadd.s32 $0xFFFFE000  }
0x157: {  	v12 =	vsub.s32 @!p0 v12, v13;
	[hbm4b:s3+s28] =	stream.indirect.scatter [tilespmem:s29], [sflag:$0x5], $0x80, s13, s28, $0xb8;
	[tilespmem:$0x12E00] =	vst v63  }
0x158: {  	s10 =	simm.s32 @!p0 $0x0;
	s11 =	simm.s32 @!p0 $0x12980;
	s12 =	rddreg [dreg:$0x7];
	[tilespmem:$0x12980] =	vst @!p0 v12  }
0x159: {  	[hbm4b:s12+s10] =	stream.linear.scatter @!p0 [tilespmem:s11], [sflag:$0x6], $0x80, $0x38;
	[tilespmem:$0x12E00] =	vst v63  }
0x15a: {  	s12 =	simm.s32 @!p0 $0x6  }
0x15b: {  	_ =	swait.ge @!p0 [sflag:s12], $0x80  }
0x15c: {  	[sflag:s12] =	ssyncset.done @!p0 $0x0  }
0x15d: {  	v12 =	vadd.s32 @!p0 $0x80, v12;
	[sflag:s12] =	ssyncadd.s32 @!p0 $0xFFFFFF80  }
0x15e: {  	[tilespmem:$0x12980] =	vst @!p0 v12;
	s13 =	rddreg [dreg:$0x6]  }
0x15f: {  	[hbm4b:s13+s10] =	stream.linear.scatter @!p0 [tilespmem:s11], [sflag:$0x6], $0x80, $0x38;
	[tilespmem:$0x12E00] =	vst v63  }
0x160: {  	_ =	swait.ge @!p0 [sflag:s12], $0x80  }
0x161: {  	[sflag:s12] =	ssyncset.done @!p0 $0x0  }
0x162: {  	v12 =	vimm.s32 @!p0 $0x80;
	[sflag:s12] =	ssyncadd.s32 @!p0 $0xFFFFFF80  }
0x163: {  	[tilespmem:$0x12980] =	vst @!p0 v12;
	s13 =	rddreg [dreg:$0x8]  }
0x164: {  	[hbm4b:s13+s10] =	stream.linear.scatter @!p0 [tilespmem:s11], [sflag:$0x6], $0x80, $0x38;
	[tilespmem:$0x12E00] =	vst v63  }
0x165: {  	_ =	swait.ge @!p0 [sflag:s12], $0x80  }
0x166: {  	[sflag:s12] =	ssyncset.done @!p0 $0x0  }
0x167: {  	[sflag:s12] =	ssyncadd.s32 @!p0 $0xFFFFFF80  }
0x168: {  	_ =	swait.ge [sflag:s24], $0x400  }
0x169: {  	[sflag:s24] =	ssyncset.done $0x0  }
0x16a: {  	s13 =	simm.s32 $0x12A00;
	s22 =	rddreg [dreg:$0xe];
	[sflag:s24] =	ssyncadd.s32 $0xFFFFFC00  }
0x16b: {  	[hbm4b:s22+s8] =	stream.linear.scatter [tilespmem:s13], [sflag:$0x6], $0x400, $0x38;
	[tilespmem:$0x12E00] =	vst v63  }
0x16c: {  	_ =	swait.ge [sflag:s25], $0x400  }
0x16d: {  	[sflag:s25] =	ssyncset.done $0x0  }
0x16e: {  	[sflag:s25] =	ssyncadd.s32 $0xFFFFFC00  }
0x16f: {  	_ =	swait.ge [sflag:s6], $0x4000  }
0x170: {  	[sflag:s6] =	ssyncset.done $0x0  }
0x171: {  	[sflag:s6] =	ssyncadd.s32 $0xFFFFC000  }
0x172: {  	_ =	swait.ge [sflag:s6], $0x4000  }
0x173: {  	[sflag:s6] =	ssyncset.done $0x0  }
0x174: {  	[sflag:s6] =	ssyncadd.s32 $0xFFFFC000  }
0x175: {  	_ =	swait.ge [sflag:s6], $0x4000  }
0x176: {  	[sflag:s6] =	ssyncset.done $0x0  }
0x177: {  	[sflag:s6] =	ssyncadd.s32 $0xFFFFC000  }
0x178: {  	_ =	swait.ge [sflag:s6], $0x4000  }
0x179: {  	[sflag:s6] =	ssyncset.done $0x0  }
0x17a: {  	[sflag:s6] =	ssyncadd.s32 $0xFFFFC000  }
0x17b: {  	_ =	swait.ge [sflag:s4], $0x2000  }
0x17c: {  	s9 =	sadd.s32 $0x1, s9;
	s23 =	rddreg [dreg:$0xf]  }
0x17d: {  	p1 =	sne.s32 s9, s23  }
.Ltmp8:
0x17e: {  	_ = 	snop;
	(pc) =	sbr.rel @p1 .LBB2_1-.Ltmp8, $3  }
0x17f: {  	_ =	sdelay $0x1  }
0x180: {  	[sflag:s4] =	ssyncset.done $0x0  }
0x181: {  	[sflag:s4] =	ssyncadd.s32 $0xFFFFE000  }
0x182: {  	_ =	sfence.sel $0x180000  }
0x183: {  	[bflag:$0x0] =	sbarrier.arrive $0xFFFF  }
0x184: {  	_ =	strace $0x90000047  }
0x185: {  	s0 =	stileid.u32;
	[bflag:$0x2] =	sbarrier.arrive $0xFFFF  }
0x186: {  	p0 =	sne.s32 s0, $0x0;
	s0 =	rddreg [dreg:$0xa]  }
0x187: {  	s0 =	sadd.s32 @!p0 $0x100000, s0  }
0x188: {  	[sflag:s0] =	ssyncadd.tile.s32 @!p0 $0x1;
	_ =	shalt  }
.Lfunc_end2:
_tile_overlayer_lowered:
.L_overlay_start_2:
0x189: {  	(tag) =	ssettag $0x2  }
0x18a: {  	s0 =	rddreg [dreg:$0x0];
	s2 =	stileid.u32  }
0x18b: {  	s1 =	rddreg [dreg:$0x1];
	p0 =	sne.s32 s2, $0x0  }
0x18c: {  	s3 =	rddreg [dreg:$0x2];
	[bflag:$0x3] =	sbarrier.arrive $0xFFFF;
	s2 =	simm.s32 @!p0 $0x1C06  }
0x18d: {  	[timem:s3], [sflag:s2] =	dma.local @!p0 [hbm:s0], s1  }
0x18e: {  	s0 =	simm.s32 @!p0 $0x6  }
0x18f: {  	_ =	swait.ge @!p0 [sflag:s0], s1  }
0x190: {  	s1 =	ssub.s32 @!p0 $0x0, s1;
	[sflag:s0] =	ssyncset.done @!p0 $0x0  }
0x191: {  	[sflag:s0] =	ssyncadd.s32 @!p0 s1  }
0x192: {  	[bflag:$0x3] =	sbarrier.arrive $0xFFFF  }
0x193: {  	_ =	shalt  }

</sc_bundles>
